<compile_context>
chip_gen: v7x
topology: tpu7x:2x2x1
jax: 0.10.2.dev20260603
libtpu: 0.0.44.dev20260713+nightly
codegen_flags: <defaults>
</compile_context>

<pallas_src>
import functools

import jax
import jax.numpy as jnp
from jax import lax
from jax.experimental import pallas as pl
from jax.experimental.pallas import tpu as pltpu
from jax.experimental.pallas import tpu_sc as plsc

B = 8
N = 4096
NPS = 768
NPT = N - NPS
NCHUNK = 4
CHS = NPS // NCHUNK
L = 16
JV = 4
TI = 512
INF = float("inf")


def _sc_chamfer(go_t, gq_t, po_t, pq2_t):
    mesh = plsc.VectorSubcoreMesh(core_axis_name="c", subcore_axis_name="s")

    @functools.partial(
        pl.kernel,
        mesh=mesh,
        out_type=[
            jax.ShapeDtypeStruct((B, NCHUNK, N), jnp.float32),
            jax.ShapeDtypeStruct((B, NCHUNK, CHS), jnp.float32),
        ],
        scratch_types=[
            pltpu.VMEM((3, N), jnp.float32),
            pltpu.VMEM((3, N), jnp.float32),
            pltpu.VMEM((3, CHS), jnp.float32),
            pltpu.VMEM((3, CHS), jnp.float32),
            pltpu.VMEM((N,), jnp.float32),
            pltpu.VMEM((CHS,), jnp.float32),
            pltpu.VMEM((CHS,), jnp.float32),
            pltpu.VMEM((N,), jnp.float32),
        ],
    )
    def body(go_hbm, gq_hbm, po_hbm, pq2_hbm, rowpart_hbm, colmin_hbm,
             go_v, gq_v, po_v, pq2_v, gn_v, pn_v, cmin_v, rpart_v):
        c = lax.axis_index("c")
        s = lax.axis_index("s")
        wid = c * 16 + s
        b = wid // NCHUNK
        ch = wid % NCHUNK

        pltpu.sync_copy(go_hbm.at[b], go_v)
        pltpu.sync_copy(gq_hbm.at[b], gq_v)
        pltpu.sync_copy(po_hbm.at[b, ch], po_v)
        pltpu.sync_copy(pq2_hbm.at[b, ch], pq2_v)

        ridx = (lax.iota(jnp.int32, L) + 1) & (L - 1)

        def rot1(v):
            return jnp.take_along_axis(v, ridx, axis=0)

        def init_gn(iv, _):
            sl = pl.ds(iv * L, L)
            x = go_v[0, sl]
            y = go_v[1, sl]
            z = go_v[2, sl]
            gn_v[sl] = x * x + y * y + z * z
            return 0

        lax.fori_loop(0, N // L, init_gn, 0)

        def init_pn(jv, _):
            sl = pl.ds(jv * L, L)
            x = po_v[0, sl]
            y = po_v[1, sl]
            z = po_v[2, sl]
            pn_v[sl] = x * x + y * y + z * z
            cmin_v[sl] = jnp.full((L,), INF, jnp.float32)
            return 0

        lax.fori_loop(0, CHS // L, init_pn, 0)

        def body_ib(ib, _):
            gsl = pl.ds(ib * L, L)
            gx0 = gq_v[0, gsl]
            gy0 = gq_v[1, gsl]
            gz0 = gq_v[2, gsl]
            gn0 = gn_v[gsl]

            def body_jq(jq, rmin):
                sls = [pl.ds((jq * JV + t) * L, L) for t in range(JV)]
                px = [pq2_v[0, sl] for sl in sls]
                py = [pq2_v[1, sl] for sl in sls]
                pz = [pq2_v[2, sl] for sl in sls]
                cm = [cmin_v[sl] for sl in sls]
                pn = [pn_v[sl] for sl in sls]
                gx, gy, gz, gn, rm = gx0, gy0, gz0, gn0, rmin
                for k in range(L):
                    if k > 0:
                        gx = rot1(gx)
                        gy = rot1(gy)
                        gz = rot1(gz)
                        gn = rot1(gn)
                        rm = rot1(rm)
                    d = []
                    for t in range(JV):
                        t3 = gx * px[t] + gy * py[t] + gz * pz[t]
                        dist = t3 + (gn + pn[t])
                        cm[t] = jnp.minimum(cm[t], dist)
                        d.append(dist)
                    while len(d) > 1:
                        d = [jnp.minimum(d[i], d[i + 1])
                             for i in range(0, len(d) - 1, 2)] + (
                                 [d[-1]] if len(d) % 2 else [])
                    rm = jnp.minimum(rm, d[0])
                rm = rot1(rm)
                for t in range(JV):
                    cmin_v[sls[t]] = cm[t]
                return rm

            rmin = lax.fori_loop(
                0, CHS // (L * JV), body_jq, jnp.full((L,), INF, jnp.float32)
            )
            rpart_v[gsl] = rmin
            return 0

        lax.fori_loop(0, N // L, body_ib, 0)

        pltpu.sync_copy(rpart_v, rowpart_hbm.at[b, ch])
        pltpu.sync_copy(cmin_v, colmin_hbm.at[b, ch])

    return body(go_t, gq_t, po_t, pq2_t)


def _tc_chamfer(gts, pn3, gq3, pq2t):

    def body(go_ref, pn_ref, gq_ref, pq2_ref, rp_ref, cm_ref):
        it = pl.program_id(1)
        zz2 = jnp.dot(gq_ref[0], pq2_ref[0],
                      preferred_element_type=jnp.float32)
        go = go_ref[0]
        gn = jnp.sum(go * go, axis=1)
        P = zz2 + (gn[:, None] + pn_ref[0])
        rp_ref[0, 0, pl.ds(it * TI, TI)] = jnp.min(P, axis=1)
        ctile = jnp.min(P, axis=0)

        @pl.when(it == 0)
        def _():
            cm_ref[0, 0] = ctile

        @pl.when(it > 0)
        def _():
            cm_ref[0, 0] = jnp.minimum(cm_ref[0, 0], ctile)

    grid = (B, N // TI)
    rowpart, colmin = pl.pallas_call(
        body,
        grid=grid,
        in_specs=[
            pl.BlockSpec((1, TI, 3), lambda b, i: (b, i, 0)),
            pl.BlockSpec((1, 1, NPT), lambda b, i: (b, 0, 0)),
            pl.BlockSpec((1, TI, 3), lambda b, i: (b, i, 0)),
            pl.BlockSpec((1, 3, NPT), lambda b, i: (b, 0, 0)),
        ],
        out_specs=[
            pl.BlockSpec((1, 1, N), lambda b, i: (b, 0, 0)),
            pl.BlockSpec((1, 1, NPT), lambda b, i: (b, 0, 0)),
        ],
        out_shape=[
            jax.ShapeDtypeStruct((B, 1, N), jnp.float32),
            jax.ShapeDtypeStruct((B, 1, NPT), jnp.float32),
        ],
    )(gts, pn3, gq3, pq2t)
    return rowpart, colmin[:, 0, :]


def _combine_tc(rp_tc, rp_sc, cm_sc, cm_tc):

    def body(rpt_ref, rps_ref, cms_ref, cmt_ref, l1_ref, l2_ref):
        s1 = jnp.sum(cms_ref[...], axis=-1) + jnp.sum(cmt_ref[...], axis=-1)
        l1 = s1 * (1.0 / N)
        rp = jnp.minimum(jnp.min(rps_ref[...], axis=1), rpt_ref[:, 0, :])
        l2 = jnp.mean(rp, axis=-1)
        l1_ref[...] = jnp.broadcast_to(l1[:, None], (B, 128))
        l2_ref[...] = jnp.broadcast_to(l2[:, None], (B, 128))

    out = pl.pallas_call(
        body,
        out_shape=[
            jax.ShapeDtypeStruct((B, 128), jnp.float32),
            jax.ShapeDtypeStruct((B, 128), jnp.float32),
        ],
    )(rp_tc, rp_sc, cm_sc, cm_tc)
    return out[0][:, 0], out[1][:, 0]


def kernel(preds, gts):
    gq16, pq16 = lax.optimization_barrier(
        (gts.astype(jnp.bfloat16), preds.astype(jnp.bfloat16))
    )
    pq2 = (-2.0 * pq16.astype(jnp.float32)).astype(jnp.bfloat16)

    go_t = jnp.transpose(gts, (0, 2, 1))
    gq_t = jnp.transpose(gq16, (0, 2, 1)).astype(jnp.float32)
    po_sc = jnp.transpose(
        preds[:, :NPS, :].reshape(B, NCHUNK, CHS, 3), (0, 1, 3, 2))
    pq2_sc = jnp.transpose(
        pq2[:, :NPS, :].reshape(B, NCHUNK, CHS, 3), (0, 1, 3, 2)
    ).astype(jnp.float32)
    rowpart_sc, colmin_sc = _sc_chamfer(go_t, gq_t, po_sc, pq2_sc)
    colmin_sc = colmin_sc.reshape(B, NPS)

    pn3 = jnp.sum(preds * preds, axis=-1)[:, None, NPS:]
    pq2t_tc = jnp.transpose(pq2[:, NPS:, :], (0, 2, 1))
    rowpart_tc, colmin_tc = _tc_chamfer(gts, pn3, gq16, pq2t_tc)

    loss_1, loss_2 = _combine_tc(rowpart_tc, rowpart_sc, colmin_sc, colmin_tc)
    return (loss_1, loss_2)

# --- scband reference (transcript-rebuilt; emitter-appended) ---
"""Pipeline reference for scband-chamfer-loss-51110110823173 (READ-ONLY COPY).

The authoritative reference and input builder live on the scoring server;
editing this copy changes nothing except your own understanding.
"""

import jax, jax.numpy as jnp
import numpy as np


def batch_pairwise_dist(x, y):
    # Faithful to torch batch_pairwise_dist: P[b,i,j] = ||x_i||^2 + ||y_j||^2 - 2 x_i . y_j
    zz = jnp.matmul(x, jnp.swapaxes(y, 2, 1))  # [B, Nx, Ny]
    # diagonal of x @ x^T is the per-point squared norm
    rx = jnp.sum(x * x, axis=2)[:, :, None]    # [B, Nx, 1]
    ry = jnp.sum(y * y, axis=2)[:, None, :]    # [B, 1, Ny]
    P = rx + ry - 2.0 * zz
    return P


def setup_inputs(seed: int = 0) -> dict:
    key = jax.random.key(seed)
    k1, k2 = jax.random.split(key)
    preds = jax.random.normal(k1, (8, 4096, 3), dtype=jnp.float32)
    gts = jax.random.normal(k2, (8, 4096, 3), dtype=jnp.float32)
    return {"preds": preds, "gts": gts}


def reference(preds, gts):
    P = batch_pairwise_dist(gts, preds)  # note: torch forward calls batch_pairwise_dist(gts, preds)
    mins1 = jnp.min(P, axis=1)           # min over gt points for each pred point
    loss_1 = jnp.mean(mins1, axis=1)
    mins2 = jnp.min(P, axis=2)           # min over pred points for each gt point
    loss_2 = jnp.mean(mins2, axis=1)
    return (loss_1, loss_2)

if __name__ == "__main__":
    import jax
    _d = setup_inputs()
    print(jax.jit(kernel)(*tuple(_d.values())))

</pallas_src>

<mosaic_0001>
#map = affine_map<(d0, d1) -> (0, 0, 0)>
#map1 = affine_map<(d0, d1) -> (0, 0, 0, 0)>
module attributes {stable_mosaic.version = 14 : i64} {
  func.func @body(%arg0: i32, %arg1: i32, %arg2: memref<8x3x4096xf32, #tpu.memory_space<hbm>>, %arg3: memref<8x3x4096xf32, #tpu.memory_space<hbm>>, %arg4: memref<8x4x3x192xf32, #tpu.memory_space<hbm>>, %arg5: memref<8x4x3x192xf32, #tpu.memory_space<hbm>>, %arg6: memref<8x4x4096xf32, #tpu.memory_space<hbm>>, %arg7: memref<8x4x192xf32, #tpu.memory_space<hbm>>, %arg8: memref<3x4096xf32, #tpu.memory_space<vmem>>, %arg9: memref<3x4096xf32, #tpu.memory_space<vmem>>, %arg10: memref<3x192xf32, #tpu.memory_space<vmem>>, %arg11: memref<3x192xf32, #tpu.memory_space<vmem>>, %arg12: memref<4096xf32, #tpu.memory_space<vmem>>, %arg13: memref<192xf32, #tpu.memory_space<vmem>>, %arg14: memref<192xf32, #tpu.memory_space<vmem>>, %arg15: memref<4096xf32, #tpu.memory_space<vmem>>) attributes {dimension_semantics = [#tpu.dimension_semantics<core_parallel>, #tpu.dimension_semantics<subcore_parallel>], iteration_bounds = array<i64: 2, 16>, scalar_prefetch = 0 : i64, scratch_operands = 8 : i64, tpu.core_type = #tpu.core_type<sc_vector_subcore>, window_params = [{transform_indices = #map}, {transform_indices = #map}, {transform_indices = #map1}, {transform_indices = #map1}, {transform_indices = #map}, {transform_indices = #map}]} {
    %mul3A = arith.constant 16 : i32
    %mul3A_0 = arith.muli %arg0, %mul3A : i32
    %add3A = arith.addi %mul3A_0, %arg1 : i32
    %jit3A = arith.constant 4 : i32
    %div3A = arith.divsi %add3A, %jit3A : i32
    %sign3A = arith.constant 0 : i32
    %sign3A_1 = arith.cmpi sgt, %add3A, %sign3A : i32
    %sign3A_2 = arith.extui %sign3A_1 : i1 to i32
    %sign3A_3 = arith.constant 0 : i32
    %sign3A_4 = arith.cmpi slt, %add3A, %sign3A_3 : i32
    %sign3A_5 = arith.extui %sign3A_4 : i1 to i32
    %sign3A_6 = arith.subi %sign3A_2, %sign3A_5 : i32
    %sign3A_7 = arith.constant 0 : i32
    %sign3A_8 = arith.cmpi sgt, %jit3A, %sign3A_7 : i32
    %sign3A_9 = arith.extui %sign3A_8 : i1 to i32
    %sign3A_10 = arith.constant 0 : i32
    %sign3A_11 = arith.cmpi slt, %jit3A, %sign3A_10 : i32
    %sign3A_12 = arith.extui %sign3A_11 : i1 to i32
    %sign3A_13 = arith.subi %sign3A_9, %sign3A_12 : i32
    %ne3A = arith.cmpi ne, %sign3A_6, %sign3A_13 : i32
    %rem3A = arith.remsi %add3A, %jit3A : i32
    %ne3A_14 = arith.constant 0 : i32
    %ne3A_15 = arith.cmpi ne, %rem3A, %ne3A_14 : i32
    %and3A = arith.andi %ne3A, %ne3A_15 : i1
    %sub3A = arith.constant 1 : i32
    %sub3A_16 = arith.subi %div3A, %sub3A : i32
    %select_n3A = arith.select %and3A, %sub3A_16, %div3A : i32
    %jit3A_17 = arith.constant 4 : i32
    %eq3A = arith.constant 0 : i32
    %eq3A_18 = arith.cmpi eq, %jit3A_17, %eq3A : i32
    %jit3A_19 = arith.constant 1 : i32
    %select_n3A_20 = arith.select %eq3A_18, %jit3A_19, %jit3A_17 : i32
    %rem3A_21 = arith.remsi %add3A, %select_n3A_20 : i32
    %ne3A_22 = arith.constant 0 : i32
    %ne3A_23 = arith.cmpi ne, %rem3A_21, %ne3A_22 : i32
    %lt3A = arith.constant 0 : i32
    %lt3A_24 = arith.cmpi slt, %rem3A_21, %lt3A : i32
    %lt3A_25 = arith.constant 0 : i32
    %lt3A_26 = arith.cmpi slt, %select_n3A_20, %lt3A_25 : i32
    %ne3A_27 = arith.xori %lt3A_24, %lt3A_26 : i1
    %and3A_28 = arith.andi %ne3A_27, %ne3A_23 : i1
    %add3A_29 = arith.addi %rem3A_21, %select_n3A_20 : i32
    %select_n3A_30 = arith.select %and3A_28, %add3A_29, %rem3A_21 : i32
    "tpu.region"() ({
      %run_scoped3A = tpu.sem_alloc : memref<!tpu.dma_semaphore, #tpu.memory_space<semaphore_mem>>
      %dma_start3A = arith.constant 0 : i32
      %dma_start3A_57 = arith.constant 0 : i32
      %dma_start3A_58 = tpu.memref_slice %arg2[%select_n3A, %dma_start3A, %dma_start3A_57] : memref<8x3x4096xf32, #tpu.memory_space<hbm>> -> memref<1x3x4096xf32, #tpu.memory_space<hbm>>
      %dma_start3A_59 = tpu.memref_squeeze %dma_start3A_58 : memref<1x3x4096xf32, #tpu.memory_space<hbm>> -> memref<3x4096xf32, #tpu.memory_space<hbm>>
      %dma_start3A_60 = arith.constant 0 : i32
      %dma_start3A_61 = arith.constant 0 : i32
      %dma_start3A_62 = tpu.memref_slice %arg2[%select_n3A, %dma_start3A_60, %dma_start3A_61] : memref<8x3x4096xf32, #tpu.memory_space<hbm>> -> memref<1x3x4096xf32, #tpu.memory_space<hbm>>
      %dma_start3A_63 = tpu.memref_squeeze %dma_start3A_62 : memref<1x3x4096xf32, #tpu.memory_space<hbm>> -> memref<3x4096xf32, #tpu.memory_space<hbm>>
      tpu.enqueue_dma source(%dma_start3A_63 : memref<3x4096xf32, #tpu.memory_space<hbm>>) target(%arg8 : memref<3x4096xf32, #tpu.memory_space<vmem>>) target_semaphore(%run_scoped3A : memref<!tpu.dma_semaphore, #tpu.memory_space<semaphore_mem>>)
      %dma_wait3A = arith.constant 0 : i32
      %dma_wait3A_64 = arith.constant 0 : i32
      %dma_wait3A_65 = tpu.memref_slice %arg2[%select_n3A, %dma_wait3A, %dma_wait3A_64] : memref<8x3x4096xf32, #tpu.memory_space<hbm>> -> memref<1x3x4096xf32, #tpu.memory_space<hbm>>
      %dma_wait3A_66 = tpu.memref_squeeze %dma_wait3A_65 : memref<1x3x4096xf32, #tpu.memory_space<hbm>> -> memref<3x4096xf32, #tpu.memory_space<hbm>>
      %dma_wait3A_67 = arith.constant 0 : i32
      %dma_wait3A_68 = arith.constant 0 : i32
      %dma_wait3A_69 = tpu.memref_slice %arg2[%select_n3A, %dma_wait3A_67, %dma_wait3A_68] : memref<8x3x4096xf32, #tpu.memory_space<hbm>> -> memref<1x3x4096xf32, #tpu.memory_space<hbm>>
      %dma_wait3A_70 = tpu.memref_squeeze %dma_wait3A_69 : memref<1x3x4096xf32, #tpu.memory_space<hbm>> -> memref<3x4096xf32, #tpu.memory_space<hbm>>
      tpu.wait_dma2 semaphore(%run_scoped3A : memref<!tpu.dma_semaphore, #tpu.memory_space<semaphore_mem>>) src(%dma_wait3A_70 : memref<3x4096xf32, #tpu.memory_space<hbm>>) dst(%arg8 : memref<3x4096xf32, #tpu.memory_space<vmem>>)
      tpu.yield
    }) : () -> ()
    "tpu.region"() ({
      %run_scoped3A = tpu.sem_alloc : memref<!tpu.dma_semaphore, #tpu.memory_space<semaphore_mem>>
      %dma_start3A = arith.constant 0 : i32
      %dma_start3A_57 = arith.constant 0 : i32
      %dma_start3A_58 = tpu.memref_slice %arg3[%select_n3A, %dma_start3A, %dma_start3A_57] : memref<8x3x4096xf32, #tpu.memory_space<hbm>> -> memref<1x3x4096xf32, #tpu.memory_space<hbm>>
      %dma_start3A_59 = tpu.memref_squeeze %dma_start3A_58 : memref<1x3x4096xf32, #tpu.memory_space<hbm>> -> memref<3x4096xf32, #tpu.memory_space<hbm>>
      %dma_start3A_60 = arith.constant 0 : i32
      %dma_start3A_61 = arith.constant 0 : i32
      %dma_start3A_62 = tpu.memref_slice %arg3[%select_n3A, %dma_start3A_60, %dma_start3A_61] : memref<8x3x4096xf32, #tpu.memory_space<hbm>> -> memref<1x3x4096xf32, #tpu.memory_space<hbm>>
      %dma_start3A_63 = tpu.memref_squeeze %dma_start3A_62 : memref<1x3x4096xf32, #tpu.memory_space<hbm>> -> memref<3x4096xf32, #tpu.memory_space<hbm>>
      tpu.enqueue_dma source(%dma_start3A_63 : memref<3x4096xf32, #tpu.memory_space<hbm>>) target(%arg9 : memref<3x4096xf32, #tpu.memory_space<vmem>>) target_semaphore(%run_scoped3A : memref<!tpu.dma_semaphore, #tpu.memory_space<semaphore_mem>>)
      %dma_wait3A = arith.constant 0 : i32
      %dma_wait3A_64 = arith.constant 0 : i32
      %dma_wait3A_65 = tpu.memref_slice %arg3[%select_n3A, %dma_wait3A, %dma_wait3A_64] : memref<8x3x4096xf32, #tpu.memory_space<hbm>> -> memref<1x3x4096xf32, #tpu.memory_space<hbm>>
      %dma_wait3A_66 = tpu.memref_squeeze %dma_wait3A_65 : memref<1x3x4096xf32, #tpu.memory_space<hbm>> -> memref<3x4096xf32, #tpu.memory_space<hbm>>
      %dma_wait3A_67 = arith.constant 0 : i32
      %dma_wait3A_68 = arith.constant 0 : i32
      %dma_wait3A_69 = tpu.memref_slice %arg3[%select_n3A, %dma_wait3A_67, %dma_wait3A_68] : memref<8x3x4096xf32, #tpu.memory_space<hbm>> -> memref<1x3x4096xf32, #tpu.memory_space<hbm>>
      %dma_wait3A_70 = tpu.memref_squeeze %dma_wait3A_69 : memref<1x3x4096xf32, #tpu.memory_space<hbm>> -> memref<3x4096xf32, #tpu.memory_space<hbm>>
      tpu.wait_dma2 semaphore(%run_scoped3A : memref<!tpu.dma_semaphore, #tpu.memory_space<semaphore_mem>>) src(%dma_wait3A_70 : memref<3x4096xf32, #tpu.memory_space<hbm>>) dst(%arg9 : memref<3x4096xf32, #tpu.memory_space<vmem>>)
      tpu.yield
    }) : () -> ()
    "tpu.region"() ({
      %run_scoped3A = tpu.sem_alloc : memref<!tpu.dma_semaphore, #tpu.memory_space<semaphore_mem>>
      %dma_start3A = arith.constant 0 : i32
      %dma_start3A_57 = arith.constant 0 : i32
      %dma_start3A_58 = tpu.memref_slice %arg4[%select_n3A, %select_n3A_30, %dma_start3A, %dma_start3A_57] : memref<8x4x3x192xf32, #tpu.memory_space<hbm>> -> memref<1x1x3x192xf32, #tpu.memory_space<hbm>>
      %dma_start3A_59 = tpu.memref_squeeze %dma_start3A_58 : memref<1x1x3x192xf32, #tpu.memory_space<hbm>> -> memref<3x192xf32, #tpu.memory_space<hbm>>
      %dma_start3A_60 = arith.constant 0 : i32
      %dma_start3A_61 = arith.constant 0 : i32
      %dma_start3A_62 = tpu.memref_slice %arg4[%select_n3A, %select_n3A_30, %dma_start3A_60, %dma_start3A_61] : memref<8x4x3x192xf32, #tpu.memory_space<hbm>> -> memref<1x1x3x192xf32, #tpu.memory_space<hbm>>
      %dma_start3A_63 = tpu.memref_squeeze %dma_start3A_62 : memref<1x1x3x192xf32, #tpu.memory_space<hbm>> -> memref<3x192xf32, #tpu.memory_space<hbm>>
      tpu.enqueue_dma source(%dma_start3A_63 : memref<3x192xf32, #tpu.memory_space<hbm>>) target(%arg10 : memref<3x192xf32, #tpu.memory_space<vmem>>) target_semaphore(%run_scoped3A : memref<!tpu.dma_semaphore, #tpu.memory_space<semaphore_mem>>)
      %dma_wait3A = arith.constant 0 : i32
      %dma_wait3A_64 = arith.constant 0 : i32
      %dma_wait3A_65 = tpu.memref_slice %arg4[%select_n3A, %select_n3A_30, %dma_wait3A, %dma_wait3A_64] : memref<8x4x3x192xf32, #tpu.memory_space<hbm>> -> memref<1x1x3x192xf32, #tpu.memory_space<hbm>>
      %dma_wait3A_66 = tpu.memref_squeeze %dma_wait3A_65 : memref<1x1x3x192xf32, #tpu.memory_space<hbm>> -> memref<3x192xf32, #tpu.memory_space<hbm>>
      %dma_wait3A_67 = arith.constant 0 : i32
      %dma_wait3A_68 = arith.constant 0 : i32
      %dma_wait3A_69 = tpu.memref_slice %arg4[%select_n3A, %select_n3A_30, %dma_wait3A_67, %dma_wait3A_68] : memref<8x4x3x192xf32, #tpu.memory_space<hbm>> -> memref<1x1x3x192xf32, #tpu.memory_space<hbm>>
      %dma_wait3A_70 = tpu.memref_squeeze %dma_wait3A_69 : memref<1x1x3x192xf32, #tpu.memory_space<hbm>> -> memref<3x192xf32, #tpu.memory_space<hbm>>
      tpu.wait_dma2 semaphore(%run_scoped3A : memref<!tpu.dma_semaphore, #tpu.memory_space<semaphore_mem>>) src(%dma_wait3A_70 : memref<3x192xf32, #tpu.memory_space<hbm>>) dst(%arg10 : memref<3x192xf32, #tpu.memory_space<vmem>>)
      tpu.yield
    }) : () -> ()
    "tpu.region"() ({
      %run_scoped3A = tpu.sem_alloc : memref<!tpu.dma_semaphore, #tpu.memory_space<semaphore_mem>>
      %dma_start3A = arith.constant 0 : i32
      %dma_start3A_57 = arith.constant 0 : i32
      %dma_start3A_58 = tpu.memref_slice %arg5[%select_n3A, %select_n3A_30, %dma_start3A, %dma_start3A_57] : memref<8x4x3x192xf32, #tpu.memory_space<hbm>> -> memref<1x1x3x192xf32, #tpu.memory_space<hbm>>
      %dma_start3A_59 = tpu.memref_squeeze %dma_start3A_58 : memref<1x1x3x192xf32, #tpu.memory_space<hbm>> -> memref<3x192xf32, #tpu.memory_space<hbm>>
      %dma_start3A_60 = arith.constant 0 : i32
      %dma_start3A_61 = arith.constant 0 : i32
      %dma_start3A_62 = tpu.memref_slice %arg5[%select_n3A, %select_n3A_30, %dma_start3A_60, %dma_start3A_61] : memref<8x4x3x192xf32, #tpu.memory_space<hbm>> -> memref<1x1x3x192xf32, #tpu.memory_space<hbm>>
      %dma_start3A_63 = tpu.memref_squeeze %dma_start3A_62 : memref<1x1x3x192xf32, #tpu.memory_space<hbm>> -> memref<3x192xf32, #tpu.memory_space<hbm>>
      tpu.enqueue_dma source(%dma_start3A_63 : memref<3x192xf32, #tpu.memory_space<hbm>>) target(%arg11 : memref<3x192xf32, #tpu.memory_space<vmem>>) target_semaphore(%run_scoped3A : memref<!tpu.dma_semaphore, #tpu.memory_space<semaphore_mem>>)
      %dma_wait3A = arith.constant 0 : i32
      %dma_wait3A_64 = arith.constant 0 : i32
      %dma_wait3A_65 = tpu.memref_slice %arg5[%select_n3A, %select_n3A_30, %dma_wait3A, %dma_wait3A_64] : memref<8x4x3x192xf32, #tpu.memory_space<hbm>> -> memref<1x1x3x192xf32, #tpu.memory_space<hbm>>
      %dma_wait3A_66 = tpu.memref_squeeze %dma_wait3A_65 : memref<1x1x3x192xf32, #tpu.memory_space<hbm>> -> memref<3x192xf32, #tpu.memory_space<hbm>>
      %dma_wait3A_67 = arith.constant 0 : i32
      %dma_wait3A_68 = arith.constant 0 : i32
      %dma_wait3A_69 = tpu.memref_slice %arg5[%select_n3A, %select_n3A_30, %dma_wait3A_67, %dma_wait3A_68] : memref<8x4x3x192xf32, #tpu.memory_space<hbm>> -> memref<1x1x3x192xf32, #tpu.memory_space<hbm>>
      %dma_wait3A_70 = tpu.memref_squeeze %dma_wait3A_69 : memref<1x1x3x192xf32, #tpu.memory_space<hbm>> -> memref<3x192xf32, #tpu.memory_space<hbm>>
      tpu.wait_dma2 semaphore(%run_scoped3A : memref<!tpu.dma_semaphore, #tpu.memory_space<semaphore_mem>>) src(%dma_wait3A_70 : memref<3x192xf32, #tpu.memory_space<hbm>>) dst(%arg11 : memref<3x192xf32, #tpu.memory_space<vmem>>)
      tpu.yield
    }) : () -> ()
    %iota3A = tpu.iota {dimensions = array<i32: 0>} : vector<16xi32>
    %add3A_31 = arith.constant 1 : i32
    %add3A_32 = vector.broadcast %add3A_31 : i32 to vector<16xi32>
    %add3A_33 = arith.addi %iota3A, %add3A_32 : vector<16xi32>
    %and3A_34 = arith.constant 15 : i32
    %and3A_35 = vector.broadcast %and3A_34 : i32 to vector<16xi32>
    %and3A_36 = arith.andi %add3A_33, %and3A_35 : vector<16xi32>
    %scan3A = arith.constant 0 : i32
    %scan3A_37 = arith.constant 0 : i32
    %scan3A_38 = arith.constant 256 : i32
    %scan3A_39 = arith.addi %scan3A_37, %scan3A_38 : i32
    %scan3A_40 = arith.constant 1 : i32
    %scan3A_41 = scf.for %scan3A_57 = %scan3A_37 to %scan3A_39 step %scan3A_40 iter_args(%scan3A_58 = %scan3A) -> (i32)  : i32 {
      %mul3A_59 = arith.constant 16 : i32
      %mul3A_60 = arith.muli %scan3A_57, %mul3A_59 : i32
      %get3A = arith.constant 0 : i32
      %get3A_61 = arith.index_cast %get3A : i32 to index
      %get3A_62 = arith.index_cast %mul3A_60 : i32 to index
      %get3A_63 = tpu.vector_load %arg8[%get3A_61, %get3A_62] {strides = array<i32>} : memref<3x4096xf32, #tpu.memory_space<vmem>>, vector<1x16xf32>,
      %get3A_64 = vector.shape_cast %get3A_63 : vector<1x16xf32> to vector<16xf32>
      %get3A_65 = arith.constant 1 : i32
      %get3A_66 = arith.index_cast %get3A_65 : i32 to index
      %get3A_67 = arith.index_cast %mul3A_60 : i32 to index
      %get3A_68 = tpu.vector_load %arg8[%get3A_66, %get3A_67] {strides = array<i32>} : memref<3x4096xf32, #tpu.memory_space<vmem>>, vector<1x16xf32>,
      %get3A_69 = vector.shape_cast %get3A_68 : vector<1x16xf32> to vector<16xf32>
      %get3A_70 = arith.constant 2 : i32
      %get3A_71 = arith.index_cast %get3A_70 : i32 to index
      %get3A_72 = arith.index_cast %mul3A_60 : i32 to index
      %get3A_73 = tpu.vector_load %arg8[%get3A_71, %get3A_72] {strides = array<i32>} : memref<3x4096xf32, #tpu.memory_space<vmem>>, vector<1x16xf32>,
      %get3A_74 = vector.shape_cast %get3A_73 : vector<1x16xf32> to vector<16xf32>
      %mul3A_75 = arith.mulf %get3A_64, %get3A_64 : vector<16xf32>
      %mul3A_76 = arith.mulf %get3A_69, %get3A_69 : vector<16xf32>
      %add3A_77 = arith.addf %mul3A_75, %mul3A_76 : vector<16xf32>
      %mul3A_78 = arith.mulf %get3A_74, %get3A_74 : vector<16xf32>
      %add3A_79 = arith.addf %add3A_77, %mul3A_78 : vector<16xf32>
      %swap3A = arith.index_cast %mul3A_60 : i32 to index
      %swap3A_80 = tpu.vector_load %arg12[%swap3A] {strides = array<i32>} : memref<4096xf32, #tpu.memory_space<vmem>>, vector<16xf32>,
      %swap3A_81 = vector.shape_cast %swap3A_80 : vector<16xf32> to vector<16xf32>
      %swap3A_82 = vector.shape_cast %add3A_79 : vector<16xf32> to vector<16xf32>
      tpu.vector_store %arg12[%swap3A], %swap3A_82 {strides = array<i32>} : memref<4096xf32, #tpu.memory_space<vmem>>, vector<16xf32>,
      %scan3A_83 = arith.constant 0 : i32
      scf.yield %scan3A_83 : i32
    }
    %scan3A_42 = arith.constant 256 : i32
    %scan3A_43 = arith.constant 0 : i32
    %scan3A_44 = arith.constant 0 : i32
    %scan3A_45 = arith.constant 12 : i32
    %scan3A_46 = arith.addi %scan3A_44, %scan3A_45 : i32
    %scan3A_47 = arith.constant 1 : i32
    %scan3A_48 = scf.for %scan3A_57 = %scan3A_44 to %scan3A_46 step %scan3A_47 iter_args(%scan3A_58 = %scan3A_43) -> (i32)  : i32 {
      %mul3A_59 = arith.constant 16 : i32
      %mul3A_60 = arith.muli %scan3A_57, %mul3A_59 : i32
      %get3A = arith.constant 0 : i32
      %get3A_61 = arith.index_cast %get3A : i32 to index
      %get3A_62 = arith.index_cast %mul3A_60 : i32 to index
      %get3A_63 = tpu.vector_load %arg10[%get3A_61, %get3A_62] {strides = array<i32>} : memref<3x192xf32, #tpu.memory_space<vmem>>, vector<1x16xf32>,
      %get3A_64 = vector.shape_cast %get3A_63 : vector<1x16xf32> to vector<16xf32>
      %get3A_65 = arith.constant 1 : i32
      %get3A_66 = arith.index_cast %get3A_65 : i32 to index
      %get3A_67 = arith.index_cast %mul3A_60 : i32 to index
      %get3A_68 = tpu.vector_load %arg10[%get3A_66, %get3A_67] {strides = array<i32>} : memref<3x192xf32, #tpu.memory_space<vmem>>, vector<1x16xf32>,
      %get3A_69 = vector.shape_cast %get3A_68 : vector<1x16xf32> to vector<16xf32>
      %get3A_70 = arith.constant 2 : i32
      %get3A_71 = arith.index_cast %get3A_70 : i32 to index
      %get3A_72 = arith.index_cast %mul3A_60 : i32 to index
      %get3A_73 = tpu.vector_load %arg10[%get3A_71, %get3A_72] {strides = array<i32>} : memref<3x192xf32, #tpu.memory_space<vmem>>, vector<1x16xf32>,
      %get3A_74 = vector.shape_cast %get3A_73 : vector<1x16xf32> to vector<16xf32>
      %mul3A_75 = arith.mulf %get3A_64, %get3A_64 : vector<16xf32>
      %mul3A_76 = arith.mulf %get3A_69, %get3A_69 : vector<16xf32>
      %add3A_77 = arith.addf %mul3A_75, %mul3A_76 : vector<16xf32>
      %mul3A_78 = arith.mulf %get3A_74, %get3A_74 : vector<16xf32>
      %add3A_79 = arith.addf %add3A_77, %mul3A_78 : vector<16xf32>
      %swap3A = arith.index_cast %mul3A_60 : i32 to index
      %swap3A_80 = tpu.vector_load %arg13[%swap3A] {strides = array<i32>} : memref<192xf32, #tpu.memory_space<vmem>>, vector<16xf32>,
      %swap3A_81 = vector.shape_cast %swap3A_80 : vector<16xf32> to vector<16xf32>
      %swap3A_82 = vector.shape_cast %add3A_79 : vector<16xf32> to vector<16xf32>
      tpu.vector_store %arg13[%swap3A], %swap3A_82 {strides = array<i32>} : memref<192xf32, #tpu.memory_space<vmem>>, vector<16xf32>,
      %broadcast_in_dim3A = arith.constant 0x7F800000 : f32
      %broadcast_in_dim3A_83 = vector.broadcast %broadcast_in_dim3A : f32 to vector<16xf32>
      %swap3A_84 = arith.index_cast %mul3A_60 : i32 to index
      %swap3A_85 = tpu.vector_load %arg14[%swap3A_84] {strides = array<i32>} : memref<192xf32, #tpu.memory_space<vmem>>, vector<16xf32>,
      %swap3A_86 = vector.shape_cast %swap3A_85 : vector<16xf32> to vector<16xf32>
      %swap3A_87 = vector.shape_cast %broadcast_in_dim3A_83 : vector<16xf32> to vector<16xf32>
      tpu.vector_store %arg14[%swap3A_84], %swap3A_87 {strides = array<i32>} : memref<192xf32, #tpu.memory_space<vmem>>, vector<16xf32>,
      %scan3A_88 = arith.constant 0 : i32
      scf.yield %scan3A_88 : i32
    }
    %scan3A_49 = arith.constant 12 : i32
    %scan3A_50 = arith.constant 0 : i32
    %scan3A_51 = arith.constant 0 : i32
    %scan3A_52 = arith.constant 256 : i32
    %scan3A_53 = arith.addi %scan3A_51, %scan3A_52 : i32
    %scan3A_54 = arith.constant 1 : i32
    %scan3A_55 = scf.for %scan3A_57 = %scan3A_51 to %scan3A_53 step %scan3A_54 iter_args(%scan3A_58 = %scan3A_50) -> (i32)  : i32 {
      %mul3A_59 = arith.constant 16 : i32
      %mul3A_60 = arith.muli %scan3A_57, %mul3A_59 : i32
      %get3A = arith.constant 0 : i32
      %get3A_61 = arith.index_cast %get3A : i32 to index
      %get3A_62 = arith.index_cast %mul3A_60 : i32 to index
      %get3A_63 = tpu.vector_load %arg9[%get3A_61, %get3A_62] {strides = array<i32>} : memref<3x4096xf32, #tpu.memory_space<vmem>>, vector<1x16xf32>,
      %get3A_64 = vector.shape_cast %get3A_63 : vector<1x16xf32> to vector<16xf32>
      %get3A_65 = arith.constant 1 : i32
      %get3A_66 = arith.index_cast %get3A_65 : i32 to index
      %get3A_67 = arith.index_cast %mul3A_60 : i32 to index
      %get3A_68 = tpu.vector_load %arg9[%get3A_66, %get3A_67] {strides = array<i32>} : memref<3x4096xf32, #tpu.memory_space<vmem>>, vector<1x16xf32>,
      %get3A_69 = vector.shape_cast %get3A_68 : vector<1x16xf32> to vector<16xf32>
      %get3A_70 = arith.constant 2 : i32
      %get3A_71 = arith.index_cast %get3A_70 : i32 to index
      %get3A_72 = arith.index_cast %mul3A_60 : i32 to index
      %get3A_73 = tpu.vector_load %arg9[%get3A_71, %get3A_72] {strides = array<i32>} : memref<3x4096xf32, #tpu.memory_space<vmem>>, vector<1x16xf32>,
      %get3A_74 = vector.shape_cast %get3A_73 : vector<1x16xf32> to vector<16xf32>
      %get3A_75 = arith.index_cast %mul3A_60 : i32 to index
      %get3A_76 = tpu.vector_load %arg12[%get3A_75] {strides = array<i32>} : memref<4096xf32, #tpu.memory_space<vmem>>, vector<16xf32>,
      %get3A_77 = vector.shape_cast %get3A_76 : vector<16xf32> to vector<16xf32>
      %broadcast_in_dim3A = arith.constant 0x7F800000 : f32
      %broadcast_in_dim3A_78 = vector.broadcast %broadcast_in_dim3A : f32 to vector<16xf32>
      %scan3A_79 = arith.constant 0 : i32
      %scan3A_80 = arith.constant 3 : i32
      %scan3A_81 = arith.addi %scan3A_79, %scan3A_80 : i32
      %scan3A_82 = arith.constant 1 : i32
      %scan3A_83 = scf.for %scan3A_89 = %scan3A_79 to %scan3A_81 step %scan3A_82 iter_args(%scan3A_90 = %broadcast_in_dim3A_78) -> (vector<16xf32>)  : i32 {
        %mul3A_91 = arith.constant 4 : i32
        %mul3A_92 = arith.muli %scan3A_89, %mul3A_91 : i32
        %add3A_93 = arith.constant 0 : i32
        %add3A_94 = arith.addi %mul3A_92, %add3A_93 : i32
        %mul3A_95 = arith.constant 16 : i32
        %mul3A_96 = arith.muli %add3A_94, %mul3A_95 : i32
        %mul3A_97 = arith.constant 4 : i32
        %mul3A_98 = arith.muli %scan3A_89, %mul3A_97 : i32
        %add3A_99 = arith.constant 1 : i32
        %add3A_100 = arith.addi %mul3A_98, %add3A_99 : i32
        %mul3A_101 = arith.constant 16 : i32
        %mul3A_102 = arith.muli %add3A_100, %mul3A_101 : i32
        %mul3A_103 = arith.constant 4 : i32
        %mul3A_104 = arith.muli %scan3A_89, %mul3A_103 : i32
        %add3A_105 = arith.constant 2 : i32
        %add3A_106 = arith.addi %mul3A_104, %add3A_105 : i32
        %mul3A_107 = arith.constant 16 : i32
        %mul3A_108 = arith.muli %add3A_106, %mul3A_107 : i32
        %mul3A_109 = arith.constant 4 : i32
        %mul3A_110 = arith.muli %scan3A_89, %mul3A_109 : i32
        %add3A_111 = arith.constant 3 : i32
        %add3A_112 = arith.addi %mul3A_110, %add3A_111 : i32
        %mul3A_113 = arith.constant 16 : i32
        %mul3A_114 = arith.muli %add3A_112, %mul3A_113 : i32
        %get3A_115 = arith.constant 0 : i32
        %get3A_116 = arith.index_cast %get3A_115 : i32 to index
        %get3A_117 = arith.index_cast %mul3A_96 : i32 to index
        %get3A_118 = tpu.vector_load %arg11[%get3A_116, %get3A_117] {strides = array<i32>} : memref<3x192xf32, #tpu.memory_space<vmem>>, vector<1x16xf32>,
        %get3A_119 = vector.shape_cast %get3A_118 : vector<1x16xf32> to vector<16xf32>
        %get3A_120 = arith.constant 0 : i32
        %get3A_121 = arith.index_cast %get3A_120 : i32 to index
        %get3A_122 = arith.index_cast %mul3A_102 : i32 to index
        %get3A_123 = tpu.vector_load %arg11[%get3A_121, %get3A_122] {strides = array<i32>} : memref<3x192xf32, #tpu.memory_space<vmem>>, vector<1x16xf32>,
        %get3A_124 = vector.shape_cast %get3A_123 : vector<1x16xf32> to vector<16xf32>
        %get3A_125 = arith.constant 0 : i32
        %get3A_126 = arith.index_cast %get3A_125 : i32 to index
        %get3A_127 = arith.index_cast %mul3A_108 : i32 to index
        %get3A_128 = tpu.vector_load %arg11[%get3A_126, %get3A_127] {strides = array<i32>} : memref<3x192xf32, #tpu.memory_space<vmem>>, vector<1x16xf32>,
        %get3A_129 = vector.shape_cast %get3A_128 : vector<1x16xf32> to vector<16xf32>
        %get3A_130 = arith.constant 0 : i32
        %get3A_131 = arith.index_cast %get3A_130 : i32 to index
        %get3A_132 = arith.index_cast %mul3A_114 : i32 to index
        %get3A_133 = tpu.vector_load %arg11[%get3A_131, %get3A_132] {strides = array<i32>} : memref<3x192xf32, #tpu.memory_space<vmem>>, vector<1x16xf32>,
        %get3A_134 = vector.shape_cast %get3A_133 : vector<1x16xf32> to vector<16xf32>
        %get3A_135 = arith.constant 1 : i32
        %get3A_136 = arith.index_cast %get3A_135 : i32 to index
        %get3A_137 = arith.index_cast %mul3A_96 : i32 to index
        %get3A_138 = tpu.vector_load %arg11[%get3A_136, %get3A_137] {strides = array<i32>} : memref<3x192xf32, #tpu.memory_space<vmem>>, vector<1x16xf32>,
        %get3A_139 = vector.shape_cast %get3A_138 : vector<1x16xf32> to vector<16xf32>
        %get3A_140 = arith.constant 1 : i32
        %get3A_141 = arith.index_cast %get3A_140 : i32 to index
        %get3A_142 = arith.index_cast %mul3A_102 : i32 to index
        %get3A_143 = tpu.vector_load %arg11[%get3A_141, %get3A_142] {strides = array<i32>} : memref<3x192xf32, #tpu.memory_space<vmem>>, vector<1x16xf32>,
        %get3A_144 = vector.shape_cast %get3A_143 : vector<1x16xf32> to vector<16xf32>
        %get3A_145 = arith.constant 1 : i32
        %get3A_146 = arith.index_cast %get3A_145 : i32 to index
        %get3A_147 = arith.index_cast %mul3A_108 : i32 to index
        %get3A_148 = tpu.vector_load %arg11[%get3A_146, %get3A_147] {strides = array<i32>} : memref<3x192xf32, #tpu.memory_space<vmem>>, vector<1x16xf32>,
        %get3A_149 = vector.shape_cast %get3A_148 : vector<1x16xf32> to vector<16xf32>
        %get3A_150 = arith.constant 1 : i32
        %get3A_151 = arith.index_cast %get3A_150 : i32 to index
        %get3A_152 = arith.index_cast %mul3A_114 : i32 to index
        %get3A_153 = tpu.vector_load %arg11[%get3A_151, %get3A_152] {strides = array<i32>} : memref<3x192xf32, #tpu.memory_space<vmem>>, vector<1x16xf32>,
        %get3A_154 = vector.shape_cast %get3A_153 : vector<1x16xf32> to vector<16xf32>
        %get3A_155 = arith.constant 2 : i32
        %get3A_156 = arith.index_cast %get3A_155 : i32 to index
        %get3A_157 = arith.index_cast %mul3A_96 : i32 to index
        %get3A_158 = tpu.vector_load %arg11[%get3A_156, %get3A_157] {strides = array<i32>} : memref<3x192xf32, #tpu.memory_space<vmem>>, vector<1x16xf32>,
        %get3A_159 = vector.shape_cast %get3A_158 : vector<1x16xf32> to vector<16xf32>
        %get3A_160 = arith.constant 2 : i32
        %get3A_161 = arith.index_cast %get3A_160 : i32 to index
        %get3A_162 = arith.index_cast %mul3A_102 : i32 to index
        %get3A_163 = tpu.vector_load %arg11[%get3A_161, %get3A_162] {strides = array<i32>} : memref<3x192xf32, #tpu.memory_space<vmem>>, vector<1x16xf32>,
        %get3A_164 = vector.shape_cast %get3A_163 : vector<1x16xf32> to vector<16xf32>
        %get3A_165 = arith.constant 2 : i32
        %get3A_166 = arith.index_cast %get3A_165 : i32 to index
        %get3A_167 = arith.index_cast %mul3A_108 : i32 to index
        %get3A_168 = tpu.vector_load %arg11[%get3A_166, %get3A_167] {strides = array<i32>} : memref<3x192xf32, #tpu.memory_space<vmem>>, vector<1x16xf32>,
        %get3A_169 = vector.shape_cast %get3A_168 : vector<1x16xf32> to vector<16xf32>
        %get3A_170 = arith.constant 2 : i32
        %get3A_171 = arith.index_cast %get3A_170 : i32 to index
        %get3A_172 = arith.index_cast %mul3A_114 : i32 to index
        %get3A_173 = tpu.vector_load %arg11[%get3A_171, %get3A_172] {strides = array<i32>} : memref<3x192xf32, #tpu.memory_space<vmem>>, vector<1x16xf32>,
        %get3A_174 = vector.shape_cast %get3A_173 : vector<1x16xf32> to vector<16xf32>
        %get3A_175 = arith.index_cast %mul3A_96 : i32 to index
        %get3A_176 = tpu.vector_load %arg14[%get3A_175] {strides = array<i32>} : memref<192xf32, #tpu.memory_space<vmem>>, vector<16xf32>,
        %get3A_177 = vector.shape_cast %get3A_176 : vector<16xf32> to vector<16xf32>
        %get3A_178 = arith.index_cast %mul3A_102 : i32 to index
        %get3A_179 = tpu.vector_load %arg14[%get3A_178] {strides = array<i32>} : memref<192xf32, #tpu.memory_space<vmem>>, vector<16xf32>,
        %get3A_180 = vector.shape_cast %get3A_179 : vector<16xf32> to vector<16xf32>
        %get3A_181 = arith.index_cast %mul3A_108 : i32 to index
        %get3A_182 = tpu.vector_load %arg14[%get3A_181] {strides = array<i32>} : memref<192xf32, #tpu.memory_space<vmem>>, vector<16xf32>,
        %get3A_183 = vector.shape_cast %get3A_182 : vector<16xf32> to vector<16xf32>
        %get3A_184 = arith.index_cast %mul3A_114 : i32 to index
        %get3A_185 = tpu.vector_load %arg14[%get3A_184] {strides = array<i32>} : memref<192xf32, #tpu.memory_space<vmem>>, vector<16xf32>,
        %get3A_186 = vector.shape_cast %get3A_185 : vector<16xf32> to vector<16xf32>
        %get3A_187 = arith.index_cast %mul3A_96 : i32 to index
        %get3A_188 = tpu.vector_load %arg13[%get3A_187] {strides = array<i32>} : memref<192xf32, #tpu.memory_space<vmem>>, vector<16xf32>,
        %get3A_189 = vector.shape_cast %get3A_188 : vector<16xf32> to vector<16xf32>
        %get3A_190 = arith.index_cast %mul3A_102 : i32 to index
        %get3A_191 = tpu.vector_load %arg13[%get3A_190] {strides = array<i32>} : memref<192xf32, #tpu.memory_space<vmem>>, vector<16xf32>,
        %get3A_192 = vector.shape_cast %get3A_191 : vector<16xf32> to vector<16xf32>
        %get3A_193 = arith.index_cast %mul3A_108 : i32 to index
        %get3A_194 = tpu.vector_load %arg13[%get3A_193] {strides = array<i32>} : memref<192xf32, #tpu.memory_space<vmem>>, vector<16xf32>,
        %get3A_195 = vector.shape_cast %get3A_194 : vector<16xf32> to vector<16xf32>
        %get3A_196 = arith.index_cast %mul3A_114 : i32 to index
        %get3A_197 = tpu.vector_load %arg13[%get3A_196] {strides = array<i32>} : memref<192xf32, #tpu.memory_space<vmem>>, vector<16xf32>,
        %get3A_198 = vector.shape_cast %get3A_197 : vector<16xf32> to vector<16xf32>
        %mul3A_199 = arith.mulf %get3A_64, %get3A_119 : vector<16xf32>
        %mul3A_200 = arith.mulf %get3A_69, %get3A_139 : vector<16xf32>
        %add3A_201 = arith.addf %mul3A_199, %mul3A_200 : vector<16xf32>
        %mul3A_202 = arith.mulf %get3A_74, %get3A_159 : vector<16xf32>
        %add3A_203 = arith.addf %add3A_201, %mul3A_202 : vector<16xf32>
        %add3A_204 = arith.addf %get3A_77, %get3A_189 : vector<16xf32>
        %add3A_205 = arith.addf %add3A_203, %add3A_204 : vector<16xf32>
        %min3A = arith.minimumf %get3A_177, %add3A_205 : vector<16xf32>
        %mul3A_206 = arith.mulf %get3A_64, %get3A_124 : vector<16xf32>
        %mul3A_207 = arith.mulf %get3A_69, %get3A_144 : vector<16xf32>
        %add3A_208 = arith.addf %mul3A_206, %mul3A_207 : vector<16xf32>
        %mul3A_209 = arith.mulf %get3A_74, %get3A_164 : vector<16xf32>
        %add3A_210 = arith.addf %add3A_208, %mul3A_209 : vector<16xf32>
        %add3A_211 = arith.addf %get3A_77, %get3A_192 : vector<16xf32>
        %add3A_212 = arith.addf %add3A_210, %add3A_211 : vector<16xf32>
        %min3A_213 = arith.minimumf %get3A_180, %add3A_212 : vector<16xf32>
        %mul3A_214 = arith.mulf %get3A_64, %get3A_129 : vector<16xf32>
        %mul3A_215 = arith.mulf %get3A_69, %get3A_149 : vector<16xf32>
        %add3A_216 = arith.addf %mul3A_214, %mul3A_215 : vector<16xf32>
        %mul3A_217 = arith.mulf %get3A_74, %get3A_169 : vector<16xf32>
        %add3A_218 = arith.addf %add3A_216, %mul3A_217 : vector<16xf32>
        %add3A_219 = arith.addf %get3A_77, %get3A_195 : vector<16xf32>
        %add3A_220 = arith.addf %add3A_218, %add3A_219 : vector<16xf32>
        %min3A_221 = arith.minimumf %get3A_183, %add3A_220 : vector<16xf32>
        %mul3A_222 = arith.mulf %get3A_64, %get3A_134 : vector<16xf32>
        %mul3A_223 = arith.mulf %get3A_69, %get3A_154 : vector<16xf32>
        %add3A_224 = arith.addf %mul3A_222, %mul3A_223 : vector<16xf32>
        %mul3A_225 = arith.mulf %get3A_74, %get3A_174 : vector<16xf32>
        %add3A_226 = arith.addf %add3A_224, %mul3A_225 : vector<16xf32>
        %add3A_227 = arith.addf %get3A_77, %get3A_198 : vector<16xf32>
        %add3A_228 = arith.addf %add3A_226, %add3A_227 : vector<16xf32>
        %min3A_229 = arith.minimumf %get3A_186, %add3A_228 : vector<16xf32>
        %min3A_230 = arith.minimumf %add3A_205, %add3A_212 : vector<16xf32>
        %min3A_231 = arith.minimumf %add3A_220, %add3A_228 : vector<16xf32>
        %min3A_232 = arith.minimumf %min3A_230, %min3A_231 : vector<16xf32>
        %min3A_233 = arith.minimumf %scan3A_90, %min3A_232 : vector<16xf32>
        %lt3A_234 = arith.constant 0 : i32
        %lt3A_235 = vector.broadcast %lt3A_234 : i32 to vector<16xi32>
        %lt3A_236 = arith.cmpi slt, %and3A_36, %lt3A_235 : vector<16xi32>
        %add3A_237 = arith.constant 16 : i32
        %add3A_238 = vector.broadcast %add3A_237 : i32 to vector<16xi32>
        %add3A_239 = arith.addi %and3A_36, %add3A_238 : vector<16xi32>
        %select_n3A_240 = arith.select %lt3A_236, %add3A_239, %and3A_36 : vector<16xi1>, vector<16xi32>
        %reshape3A = vector.shape_cast %select_n3A_240 : vector<16xi32> to vector<16x1xi32>
        %gather3A = vector.shape_cast %reshape3A : vector<16x1xi32> to vector<16xi32>
        %gather3A_241 = tpu.dynamic_gather %get3A_64[%gather3A] in [0] : vector<16xf32>, vector<16xi32> -> vector<16xf32>
        %lt3A_242 = arith.constant 0 : i32
        %lt3A_243 = vector.broadcast %lt3A_242 : i32 to vector<16xi32>
        %lt3A_244 = arith.cmpi slt, %and3A_36, %lt3A_243 : vector<16xi32>
        %add3A_245 = arith.constant 16 : i32
        %add3A_246 = vector.broadcast %add3A_245 : i32 to vector<16xi32>
        %add3A_247 = arith.addi %and3A_36, %add3A_246 : vector<16xi32>
        %select_n3A_248 = arith.select %lt3A_244, %add3A_247, %and3A_36 : vector<16xi1>, vector<16xi32>
        %reshape3A_249 = vector.shape_cast %select_n3A_248 : vector<16xi32> to vector<16x1xi32>
        %gather3A_250 = vector.shape_cast %reshape3A_249 : vector<16x1xi32> to vector<16xi32>
        %gather3A_251 = tpu.dynamic_gather %get3A_69[%gather3A_250] in [0] : vector<16xf32>, vector<16xi32> -> vector<16xf32>
        %lt3A_252 = arith.constant 0 : i32
        %lt3A_253 = vector.broadcast %lt3A_252 : i32 to vector<16xi32>
        %lt3A_254 = arith.cmpi slt, %and3A_36, %lt3A_253 : vector<16xi32>
        %add3A_255 = arith.constant 16 : i32
        %add3A_256 = vector.broadcast %add3A_255 : i32 to vector<16xi32>
        %add3A_257 = arith.addi %and3A_36, %add3A_256 : vector<16xi32>
        %select_n3A_258 = arith.select %lt3A_254, %add3A_257, %and3A_36 : vector<16xi1>, vector<16xi32>
        %reshape3A_259 = vector.shape_cast %select_n3A_258 : vector<16xi32> to vector<16x1xi32>
        %gather3A_260 = vector.shape_cast %reshape3A_259 : vector<16x1xi32> to vector<16xi32>
        %gather3A_261 = tpu.dynamic_gather %get3A_74[%gather3A_260] in [0] : vector<16xf32>, vector<16xi32> -> vector<16xf32>
        %lt3A_262 = arith.constant 0 : i32
        %lt3A_263 = vector.broadcast %lt3A_262 : i32 to vector<16xi32>
        %lt3A_264 = arith.cmpi slt, %and3A_36, %lt3A_263 : vector<16xi32>
        %add3A_265 = arith.constant 16 : i32
        %add3A_266 = vector.broadcast %add3A_265 : i32 to vector<16xi32>
        %add3A_267 = arith.addi %and3A_36, %add3A_266 : vector<16xi32>
        %select_n3A_268 = arith.select %lt3A_264, %add3A_267, %and3A_36 : vector<16xi1>, vector<16xi32>
        %reshape3A_269 = vector.shape_cast %select_n3A_268 : vector<16xi32> to vector<16x1xi32>
        %gather3A_270 = vector.shape_cast %reshape3A_269 : vector<16x1xi32> to vector<16xi32>
        %gather3A_271 = tpu.dynamic_gather %get3A_77[%gather3A_270] in [0] : vector<16xf32>, vector<16xi32> -> vector<16xf32>
        %lt3A_272 = arith.constant 0 : i32
        %lt3A_273 = vector.broadcast %lt3A_272 : i32 to vector<16xi32>
        %lt3A_274 = arith.cmpi slt, %and3A_36, %lt3A_273 : vector<16xi32>
        %add3A_275 = arith.constant 16 : i32
        %add3A_276 = vector.broadcast %add3A_275 : i32 to vector<16xi32>
        %add3A_277 = arith.addi %and3A_36, %add3A_276 : vector<16xi32>
        %select_n3A_278 = arith.select %lt3A_274, %add3A_277, %and3A_36 : vector<16xi1>, vector<16xi32>
        %reshape3A_279 = vector.shape_cast %select_n3A_278 : vector<16xi32> to vector<16x1xi32>
        %gather3A_280 = vector.shape_cast %reshape3A_279 : vector<16x1xi32> to vector<16xi32>
        %gather3A_281 = tpu.dynamic_gather %min3A_233[%gather3A_280] in [0] : vector<16xf32>, vector<16xi32> -> vector<16xf32>
        %mul3A_282 = arith.mulf %gather3A_241, %get3A_119 : vector<16xf32>
        %mul3A_283 = arith.mulf %gather3A_251, %get3A_139 : vector<16xf32>
        %add3A_284 = arith.addf %mul3A_282, %mul3A_283 : vector<16xf32>
        %mul3A_285 = arith.mulf %gather3A_261, %get3A_159 : vector<16xf32>
        %add3A_286 = arith.addf %add3A_284, %mul3A_285 : vector<16xf32>
        %add3A_287 = arith.addf %gather3A_271, %get3A_189 : vector<16xf32>
        %add3A_288 = arith.addf %add3A_286, %add3A_287 : vector<16xf32>
        %min3A_289 = arith.minimumf %min3A, %add3A_288 : vector<16xf32>
        %mul3A_290 = arith.mulf %gather3A_241, %get3A_124 : vector<16xf32>
        %mul3A_291 = arith.mulf %gather3A_251, %get3A_144 : vector<16xf32>
        %add3A_292 = arith.addf %mul3A_290, %mul3A_291 : vector<16xf32>
        %mul3A_293 = arith.mulf %gather3A_261, %get3A_164 : vector<16xf32>
        %add3A_294 = arith.addf %add3A_292, %mul3A_293 : vector<16xf32>
        %add3A_295 = arith.addf %gather3A_271, %get3A_192 : vector<16xf32>
        %add3A_296 = arith.addf %add3A_294, %add3A_295 : vector<16xf32>
        %min3A_297 = arith.minimumf %min3A_213, %add3A_296 : vector<16xf32>
        %mul3A_298 = arith.mulf %gather3A_241, %get3A_129 : vector<16xf32>
        %mul3A_299 = arith.mulf %gather3A_251, %get3A_149 : vector<16xf32>
        %add3A_300 = arith.addf %mul3A_298, %mul3A_299 : vector<16xf32>
        %mul3A_301 = arith.mulf %gather3A_261, %get3A_169 : vector<16xf32>
        %add3A_302 = arith.addf %add3A_300, %mul3A_301 : vector<16xf32>
        %add3A_303 = arith.addf %gather3A_271, %get3A_195 : vector<16xf32>
        %add3A_304 = arith.addf %add3A_302, %add3A_303 : vector<16xf32>
        %min3A_305 = arith.minimumf %min3A_221, %add3A_304 : vector<16xf32>
        %mul3A_306 = arith.mulf %gather3A_241, %get3A_134 : vector<16xf32>
        %mul3A_307 = arith.mulf %gather3A_251, %get3A_154 : vector<16xf32>
        %add3A_308 = arith.addf %mul3A_306, %mul3A_307 : vector<16xf32>
        %mul3A_309 = arith.mulf %gather3A_261, %get3A_174 : vector<16xf32>
        %add3A_310 = arith.addf %add3A_308, %mul3A_309 : vector<16xf32>
        %add3A_311 = arith.addf %gather3A_271, %get3A_198 : vector<16xf32>
        %add3A_312 = arith.addf %add3A_310, %add3A_311 : vector<16xf32>
        %min3A_313 = arith.minimumf %min3A_229, %add3A_312 : vector<16xf32>
        %min3A_314 = arith.minimumf %add3A_288, %add3A_296 : vector<16xf32>
        %min3A_315 = arith.minimumf %add3A_304, %add3A_312 : vector<16xf32>
        %min3A_316 = arith.minimumf %min3A_314, %min3A_315 : vector<16xf32>
        %min3A_317 = arith.minimumf %gather3A_281, %min3A_316 : vector<16xf32>
        %lt3A_318 = arith.constant 0 : i32
        %lt3A_319 = vector.broadcast %lt3A_318 : i32 to vector<16xi32>
        %lt3A_320 = arith.cmpi slt, %and3A_36, %lt3A_319 : vector<16xi32>
        %add3A_321 = arith.constant 16 : i32
        %add3A_322 = vector.broadcast %add3A_321 : i32 to vector<16xi32>
        %add3A_323 = arith.addi %and3A_36, %add3A_322 : vector<16xi32>
        %select_n3A_324 = arith.select %lt3A_320, %add3A_323, %and3A_36 : vector<16xi1>, vector<16xi32>
        %reshape3A_325 = vector.shape_cast %select_n3A_324 : vector<16xi32> to vector<16x1xi32>
        %gather3A_326 = vector.shape_cast %reshape3A_325 : vector<16x1xi32> to vector<16xi32>
        %gather3A_327 = tpu.dynamic_gather %gather3A_241[%gather3A_326] in [0] : vector<16xf32>, vector<16xi32> -> vector<16xf32>
        %lt3A_328 = arith.constant 0 : i32
        %lt3A_329 = vector.broadcast %lt3A_328 : i32 to vector<16xi32>
        %lt3A_330 = arith.cmpi slt, %and3A_36, %lt3A_329 : vector<16xi32>
        %add3A_331 = arith.constant 16 : i32
        %add3A_332 = vector.broadcast %add3A_331 : i32 to vector<16xi32>
        %add3A_333 = arith.addi %and3A_36, %add3A_332 : vector<16xi32>
        %select_n3A_334 = arith.select %lt3A_330, %add3A_333, %and3A_36 : vector<16xi1>, vector<16xi32>
        %reshape3A_335 = vector.shape_cast %select_n3A_334 : vector<16xi32> to vector<16x1xi32>
        %gather3A_336 = vector.shape_cast %reshape3A_335 : vector<16x1xi32> to vector<16xi32>
        %gather3A_337 = tpu.dynamic_gather %gather3A_251[%gather3A_336] in [0] : vector<16xf32>, vector<16xi32> -> vector<16xf32>
        %lt3A_338 = arith.constant 0 : i32
        %lt3A_339 = vector.broadcast %lt3A_338 : i32 to vector<16xi32>
        %lt3A_340 = arith.cmpi slt, %and3A_36, %lt3A_339 : vector<16xi32>
        %add3A_341 = arith.constant 16 : i32
        %add3A_342 = vector.broadcast %add3A_341 : i32 to vector<16xi32>
        %add3A_343 = arith.addi %and3A_36, %add3A_342 : vector<16xi32>
        %select_n3A_344 = arith.select %lt3A_340, %add3A_343, %and3A_36 : vector<16xi1>, vector<16xi32>
        %reshape3A_345 = vector.shape_cast %select_n3A_344 : vector<16xi32> to vector<16x1xi32>
        %gather3A_346 = vector.shape_cast %reshape3A_345 : vector<16x1xi32> to vector<16xi32>
        %gather3A_347 = tpu.dynamic_gather %gather3A_261[%gather3A_346] in [0] : vector<16xf32>, vector<16xi32> -> vector<16xf32>
        %lt3A_348 = arith.constant 0 : i32
        %lt3A_349 = vector.broadcast %lt3A_348 : i32 to vector<16xi32>
        %lt3A_350 = arith.cmpi slt, %and3A_36, %lt3A_349 : vector<16xi32>
        %add3A_351 = arith.constant 16 : i32
        %add3A_352 = vector.broadcast %add3A_351 : i32 to vector<16xi32>
        %add3A_353 = arith.addi %and3A_36, %add3A_352 : vector<16xi32>
        %select_n3A_354 = arith.select %lt3A_350, %add3A_353, %and3A_36 : vector<16xi1>, vector<16xi32>
        %reshape3A_355 = vector.shape_cast %select_n3A_354 : vector<16xi32> to vector<16x1xi32>
        %gather3A_356 = vector.shape_cast %reshape3A_355 : vector<16x1xi32> to vector<16xi32>
        %gather3A_357 = tpu.dynamic_gather %gather3A_271[%gather3A_356] in [0] : vector<16xf32>, vector<16xi32> -> vector<16xf32>
        %lt3A_358 = arith.constant 0 : i32
        %lt3A_359 = vector.broadcast %lt3A_358 : i32 to vector<16xi32>
        %lt3A_360 = arith.cmpi slt, %and3A_36, %lt3A_359 : vector<16xi32>
        %add3A_361 = arith.constant 16 : i32
        %add3A_362 = vector.broadcast %add3A_361 : i32 to vector<16xi32>
        %add3A_363 = arith.addi %and3A_36, %add3A_362 : vector<16xi32>
        %select_n3A_364 = arith.select %lt3A_360, %add3A_363, %and3A_36 : vector<16xi1>, vector<16xi32>
        %reshape3A_365 = vector.shape_cast %select_n3A_364 : vector<16xi32> to vector<16x1xi32>
        %gather3A_366 = vector.shape_cast %reshape3A_365 : vector<16x1xi32> to vector<16xi32>
        %gather3A_367 = tpu.dynamic_gather %min3A_317[%gather3A_366] in [0] : vector<16xf32>, vector<16xi32> -> vector<16xf32>
        %mul3A_368 = arith.mulf %gather3A_327, %get3A_119 : vector<16xf32>
        %mul3A_369 = arith.mulf %gather3A_337, %get3A_139 : vector<16xf32>
        %add3A_370 = arith.addf %mul3A_368, %mul3A_369 : vector<16xf32>
        %mul3A_371 = arith.mulf %gather3A_347, %get3A_159 : vector<16xf32>
        %add3A_372 = arith.addf %add3A_370, %mul3A_371 : vector<16xf32>
        %add3A_373 = arith.addf %gather3A_357, %get3A_189 : vector<16xf32>
        %add3A_374 = arith.addf %add3A_372, %add3A_373 : vector<16xf32>
        %min3A_375 = arith.minimumf %min3A_289, %add3A_374 : vector<16xf32>
        %mul3A_376 = arith.mulf %gather3A_327, %get3A_124 : vector<16xf32>
        %mul3A_377 = arith.mulf %gather3A_337, %get3A_144 : vector<16xf32>
        %add3A_378 = arith.addf %mul3A_376, %mul3A_377 : vector<16xf32>
        %mul3A_379 = arith.mulf %gather3A_347, %get3A_164 : vector<16xf32>
        %add3A_380 = arith.addf %add3A_378, %mul3A_379 : vector<16xf32>
        %add3A_381 = arith.addf %gather3A_357, %get3A_192 : vector<16xf32>
        %add3A_382 = arith.addf %add3A_380, %add3A_381 : vector<16xf32>
        %min3A_383 = arith.minimumf %min3A_297, %add3A_382 : vector<16xf32>
        %mul3A_384 = arith.mulf %gather3A_327, %get3A_129 : vector<16xf32>
        %mul3A_385 = arith.mulf %gather3A_337, %get3A_149 : vector<16xf32>
        %add3A_386 = arith.addf %mul3A_384, %mul3A_385 : vector<16xf32>
        %mul3A_387 = arith.mulf %gather3A_347, %get3A_169 : vector<16xf32>
        %add3A_388 = arith.addf %add3A_386, %mul3A_387 : vector<16xf32>
        %add3A_389 = arith.addf %gather3A_357, %get3A_195 : vector<16xf32>
        %add3A_390 = arith.addf %add3A_388, %add3A_389 : vector<16xf32>
        %min3A_391 = arith.minimumf %min3A_305, %add3A_390 : vector<16xf32>
        %mul3A_392 = arith.mulf %gather3A_327, %get3A_134 : vector<16xf32>
        %mul3A_393 = arith.mulf %gather3A_337, %get3A_154 : vector<16xf32>
        %add3A_394 = arith.addf %mul3A_392, %mul3A_393 : vector<16xf32>
        %mul3A_395 = arith.mulf %gather3A_347, %get3A_174 : vector<16xf32>
        %add3A_396 = arith.addf %add3A_394, %mul3A_395 : vector<16xf32>
        %add3A_397 = arith.addf %gather3A_357, %get3A_198 : vector<16xf32>
        %add3A_398 = arith.addf %add3A_396, %add3A_397 : vector<16xf32>
        %min3A_399 = arith.minimumf %min3A_313, %add3A_398 : vector<16xf32>
        %min3A_400 = arith.minimumf %add3A_374, %add3A_382 : vector<16xf32>
        %min3A_401 = arith.minimumf %add3A_390, %add3A_398 : vector<16xf32>
        %min3A_402 = arith.minimumf %min3A_400, %min3A_401 : vector<16xf32>
        %min3A_403 = arith.minimumf %gather3A_367, %min3A_402 : vector<16xf32>
        %lt3A_404 = arith.constant 0 : i32
        %lt3A_405 = vector.broadcast %lt3A_404 : i32 to vector<16xi32>
        %lt3A_406 = arith.cmpi slt, %and3A_36, %lt3A_405 : vector<16xi32>
        %add3A_407 = arith.constant 16 : i32
        %add3A_408 = vector.broadcast %add3A_407 : i32 to vector<16xi32>
        %add3A_409 = arith.addi %and3A_36, %add3A_408 : vector<16xi32>
        %select_n3A_410 = arith.select %lt3A_406, %add3A_409, %and3A_36 : vector<16xi1>, vector<16xi32>
        %reshape3A_411 = vector.shape_cast %select_n3A_410 : vector<16xi32> to vector<16x1xi32>
        %gather3A_412 = vector.shape_cast %reshape3A_411 : vector<16x1xi32> to vector<16xi32>
        %gather3A_413 = tpu.dynamic_gather %gather3A_327[%gather3A_412] in [0] : vector<16xf32>, vector<16xi32> -> vector<16xf32>
        %lt3A_414 = arith.constant 0 : i32
        %lt3A_415 = vector.broadcast %lt3A_414 : i32 to vector<16xi32>
        %lt3A_416 = arith.cmpi slt, %and3A_36, %lt3A_415 : vector<16xi32>
        %add3A_417 = arith.constant 16 : i32
        %add3A_418 = vector.broadcast %add3A_417 : i32 to vector<16xi32>
        %add3A_419 = arith.addi %and3A_36, %add3A_418 : vector<16xi32>
        %select_n3A_420 = arith.select %lt3A_416, %add3A_419, %and3A_36 : vector<16xi1>, vector<16xi32>
        %reshape3A_421 = vector.shape_cast %select_n3A_420 : vector<16xi32> to vector<16x1xi32>
        %gather3A_422 = vector.shape_cast %reshape3A_421 : vector<16x1xi32> to vector<16xi32>
        %gather3A_423 = tpu.dynamic_gather %gather3A_337[%gather3A_422] in [0] : vector<16xf32>, vector<16xi32> -> vector<16xf32>
        %lt3A_424 = arith.constant 0 : i32
        %lt3A_425 = vector.broadcast %lt3A_424 : i32 to vector<16xi32>
        %lt3A_426 = arith.cmpi slt, %and3A_36, %lt3A_425 : vector<16xi32>
        %add3A_427 = arith.constant 16 : i32
        %add3A_428 = vector.broadcast %add3A_427 : i32 to vector<16xi32>
        %add3A_429 = arith.addi %and3A_36, %add3A_428 : vector<16xi32>
        %select_n3A_430 = arith.select %lt3A_426, %add3A_429, %and3A_36 : vector<16xi1>, vector<16xi32>
        %reshape3A_431 = vector.shape_cast %select_n3A_430 : vector<16xi32> to vector<16x1xi32>
        %gather3A_432 = vector.shape_cast %reshape3A_431 : vector<16x1xi32> to vector<16xi32>
        %gather3A_433 = tpu.dynamic_gather %gather3A_347[%gather3A_432] in [0] : vector<16xf32>, vector<16xi32> -> vector<16xf32>
        %lt3A_434 = arith.constant 0 : i32
        %lt3A_435 = vector.broadcast %lt3A_434 : i32 to vector<16xi32>
        %lt3A_436 = arith.cmpi slt, %and3A_36, %lt3A_435 : vector<16xi32>
        %add3A_437 = arith.constant 16 : i32
        %add3A_438 = vector.broadcast %add3A_437 : i32 to vector<16xi32>
        %add3A_439 = arith.addi %and3A_36, %add3A_438 : vector<16xi32>
        %select_n3A_440 = arith.select %lt3A_436, %add3A_439, %and3A_36 : vector<16xi1>, vector<16xi32>
        %reshape3A_441 = vector.shape_cast %select_n3A_440 : vector<16xi32> to vector<16x1xi32>
        %gather3A_442 = vector.shape_cast %reshape3A_441 : vector<16x1xi32> to vector<16xi32>
        %gather3A_443 = tpu.dynamic_gather %gather3A_357[%gather3A_442] in [0] : vector<16xf32>, vector<16xi32> -> vector<16xf32>
        %lt3A_444 = arith.constant 0 : i32
        %lt3A_445 = vector.broadcast %lt3A_444 : i32 to vector<16xi32>
        %lt3A_446 = arith.cmpi slt, %and3A_36, %lt3A_445 : vector<16xi32>
        %add3A_447 = arith.constant 16 : i32
        %add3A_448 = vector.broadcast %add3A_447 : i32 to vector<16xi32>
        %add3A_449 = arith.addi %and3A_36, %add3A_448 : vector<16xi32>
        %select_n3A_450 = arith.select %lt3A_446, %add3A_449, %and3A_36 : vector<16xi1>, vector<16xi32>
        %reshape3A_451 = vector.shape_cast %select_n3A_450 : vector<16xi32> to vector<16x1xi32>
        %gather3A_452 = vector.shape_cast %reshape3A_451 : vector<16x1xi32> to vector<16xi32>
        %gather3A_453 = tpu.dynamic_gather %min3A_403[%gather3A_452] in [0] : vector<16xf32>, vector<16xi32> -> vector<16xf32>
        %mul3A_454 = arith.mulf %gather3A_413, %get3A_119 : vector<16xf32>
        %mul3A_455 = arith.mulf %gather3A_423, %get3A_139 : vector<16xf32>
        %add3A_456 = arith.addf %mul3A_454, %mul3A_455 : vector<16xf32>
        %mul3A_457 = arith.mulf %gather3A_433, %get3A_159 : vector<16xf32>
        %add3A_458 = arith.addf %add3A_456, %mul3A_457 : vector<16xf32>
        %add3A_459 = arith.addf %gather3A_443, %get3A_189 : vector<16xf32>
        %add3A_460 = arith.addf %add3A_458, %add3A_459 : vector<16xf32>
        %min3A_461 = arith.minimumf %min3A_375, %add3A_460 : vector<16xf32>
        %mul3A_462 = arith.mulf %gather3A_413, %get3A_124 : vector<16xf32>
        %mul3A_463 = arith.mulf %gather3A_423, %get3A_144 : vector<16xf32>
        %add3A_464 = arith.addf %mul3A_462, %mul3A_463 : vector<16xf32>
        %mul3A_465 = arith.mulf %gather3A_433, %get3A_164 : vector<16xf32>
        %add3A_466 = arith.addf %add3A_464, %mul3A_465 : vector<16xf32>
        %add3A_467 = arith.addf %gather3A_443, %get3A_192 : vector<16xf32>
        %add3A_468 = arith.addf %add3A_466, %add3A_467 : vector<16xf32>
        %min3A_469 = arith.minimumf %min3A_383, %add3A_468 : vector<16xf32>
        %mul3A_470 = arith.mulf %gather3A_413, %get3A_129 : vector<16xf32>
        %mul3A_471 = arith.mulf %gather3A_423, %get3A_149 : vector<16xf32>
        %add3A_472 = arith.addf %mul3A_470, %mul3A_471 : vector<16xf32>
        %mul3A_473 = arith.mulf %gather3A_433, %get3A_169 : vector<16xf32>
        %add3A_474 = arith.addf %add3A_472, %mul3A_473 : vector<16xf32>
        %add3A_475 = arith.addf %gather3A_443, %get3A_195 : vector<16xf32>
        %add3A_476 = arith.addf %add3A_474, %add3A_475 : vector<16xf32>
        %min3A_477 = arith.minimumf %min3A_391, %add3A_476 : vector<16xf32>
        %mul3A_478 = arith.mulf %gather3A_413, %get3A_134 : vector<16xf32>
        %mul3A_479 = arith.mulf %gather3A_423, %get3A_154 : vector<16xf32>
        %add3A_480 = arith.addf %mul3A_478, %mul3A_479 : vector<16xf32>
        %mul3A_481 = arith.mulf %gather3A_433, %get3A_174 : vector<16xf32>
        %add3A_482 = arith.addf %add3A_480, %mul3A_481 : vector<16xf32>
        %add3A_483 = arith.addf %gather3A_443, %get3A_198 : vector<16xf32>
        %add3A_484 = arith.addf %add3A_482, %add3A_483 : vector<16xf32>
        %min3A_485 = arith.minimumf %min3A_399, %add3A_484 : vector<16xf32>
        %min3A_486 = arith.minimumf %add3A_460, %add3A_468 : vector<16xf32>
        %min3A_487 = arith.minimumf %add3A_476, %add3A_484 : vector<16xf32>
        %min3A_488 = arith.minimumf %min3A_486, %min3A_487 : vector<16xf32>
        %min3A_489 = arith.minimumf %gather3A_453, %min3A_488 : vector<16xf32>
        %lt3A_490 = arith.constant 0 : i32
        %lt3A_491 = vector.broadcast %lt3A_490 : i32 to vector<16xi32>
        %lt3A_492 = arith.cmpi slt, %and3A_36, %lt3A_491 : vector<16xi32>
        %add3A_493 = arith.constant 16 : i32
        %add3A_494 = vector.broadcast %add3A_493 : i32 to vector<16xi32>
        %add3A_495 = arith.addi %and3A_36, %add3A_494 : vector<16xi32>
        %select_n3A_496 = arith.select %lt3A_492, %add3A_495, %and3A_36 : vector<16xi1>, vector<16xi32>
        %reshape3A_497 = vector.shape_cast %select_n3A_496 : vector<16xi32> to vector<16x1xi32>
        %gather3A_498 = vector.shape_cast %reshape3A_497 : vector<16x1xi32> to vector<16xi32>
        %gather3A_499 = tpu.dynamic_gather %gather3A_413[%gather3A_498] in [0] : vector<16xf32>, vector<16xi32> -> vector<16xf32>
        %lt3A_500 = arith.constant 0 : i32
        %lt3A_501 = vector.broadcast %lt3A_500 : i32 to vector<16xi32>
        %lt3A_502 = arith.cmpi slt, %and3A_36, %lt3A_501 : vector<16xi32>
        %add3A_503 = arith.constant 16 : i32
        %add3A_504 = vector.broadcast %add3A_503 : i32 to vector<16xi32>
        %add3A_505 = arith.addi %and3A_36, %add3A_504 : vector<16xi32>
        %select_n3A_506 = arith.select %lt3A_502, %add3A_505, %and3A_36 : vector<16xi1>, vector<16xi32>
        %reshape3A_507 = vector.shape_cast %select_n3A_506 : vector<16xi32> to vector<16x1xi32>
        %gather3A_508 = vector.shape_cast %reshape3A_507 : vector<16x1xi32> to vector<16xi32>
        %gather3A_509 = tpu.dynamic_gather %gather3A_423[%gather3A_508] in [0] : vector<16xf32>, vector<16xi32> -> vector<16xf32>
        %lt3A_510 = arith.constant 0 : i32
        %lt3A_511 = vector.broadcast %lt3A_510 : i32 to vector<16xi32>
        %lt3A_512 = arith.cmpi slt, %and3A_36, %lt3A_511 : vector<16xi32>
        %add3A_513 = arith.constant 16 : i32
        %add3A_514 = vector.broadcast %add3A_513 : i32 to vector<16xi32>
        %add3A_515 = arith.addi %and3A_36, %add3A_514 : vector<16xi32>
        %select_n3A_516 = arith.select %lt3A_512, %add3A_515, %and3A_36 : vector<16xi1>, vector<16xi32>
        %reshape3A_517 = vector.shape_cast %select_n3A_516 : vector<16xi32> to vector<16x1xi32>
        %gather3A_518 = vector.shape_cast %reshape3A_517 : vector<16x1xi32> to vector<16xi32>
        %gather3A_519 = tpu.dynamic_gather %gather3A_433[%gather3A_518] in [0] : vector<16xf32>, vector<16xi32> -> vector<16xf32>
        %lt3A_520 = arith.constant 0 : i32
        %lt3A_521 = vector.broadcast %lt3A_520 : i32 to vector<16xi32>
        %lt3A_522 = arith.cmpi slt, %and3A_36, %lt3A_521 : vector<16xi32>
        %add3A_523 = arith.constant 16 : i32
        %add3A_524 = vector.broadcast %add3A_523 : i32 to vector<16xi32>
        %add3A_525 = arith.addi %and3A_36, %add3A_524 : vector<16xi32>
        %select_n3A_526 = arith.select %lt3A_522, %add3A_525, %and3A_36 : vector<16xi1>, vector<16xi32>
        %reshape3A_527 = vector.shape_cast %select_n3A_526 : vector<16xi32> to vector<16x1xi32>
        %gather3A_528 = vector.shape_cast %reshape3A_527 : vector<16x1xi32> to vector<16xi32>
        %gather3A_529 = tpu.dynamic_gather %gather3A_443[%gather3A_528] in [0] : vector<16xf32>, vector<16xi32> -> vector<16xf32>
        %lt3A_530 = arith.constant 0 : i32
        %lt3A_531 = vector.broadcast %lt3A_530 : i32 to vector<16xi32>
        %lt3A_532 = arith.cmpi slt, %and3A_36, %lt3A_531 : vector<16xi32>
        %add3A_533 = arith.constant 16 : i32
        %add3A_534 = vector.broadcast %add3A_533 : i32 to vector<16xi32>
        %add3A_535 = arith.addi %and3A_36, %add3A_534 : vector<16xi32>
        %select_n3A_536 = arith.select %lt3A_532, %add3A_535, %and3A_36 : vector<16xi1>, vector<16xi32>
        %reshape3A_537 = vector.shape_cast %select_n3A_536 : vector<16xi32> to vector<16x1xi32>
        %gather3A_538 = vector.shape_cast %reshape3A_537 : vector<16x1xi32> to vector<16xi32>
        %gather3A_539 = tpu.dynamic_gather %min3A_489[%gather3A_538] in [0] : vector<16xf32>, vector<16xi32> -> vector<16xf32>
        %mul3A_540 = arith.mulf %gather3A_499, %get3A_119 : vector<16xf32>
        %mul3A_541 = arith.mulf %gather3A_509, %get3A_139 : vector<16xf32>
        %add3A_542 = arith.addf %mul3A_540, %mul3A_541 : vector<16xf32>
        %mul3A_543 = arith.mulf %gather3A_519, %get3A_159 : vector<16xf32>
        %add3A_544 = arith.addf %add3A_542, %mul3A_543 : vector<16xf32>
        %add3A_545 = arith.addf %gather3A_529, %get3A_189 : vector<16xf32>
        %add3A_546 = arith.addf %add3A_544, %add3A_545 : vector<16xf32>
        %min3A_547 = arith.minimumf %min3A_461, %add3A_546 : vector<16xf32>
        %mul3A_548 = arith.mulf %gather3A_499, %get3A_124 : vector<16xf32>
        %mul3A_549 = arith.mulf %gather3A_509, %get3A_144 : vector<16xf32>
        %add3A_550 = arith.addf %mul3A_548, %mul3A_549 : vector<16xf32>
        %mul3A_551 = arith.mulf %gather3A_519, %get3A_164 : vector<16xf32>
        %add3A_552 = arith.addf %add3A_550, %mul3A_551 : vector<16xf32>
        %add3A_553 = arith.addf %gather3A_529, %get3A_192 : vector<16xf32>
        %add3A_554 = arith.addf %add3A_552, %add3A_553 : vector<16xf32>
        %min3A_555 = arith.minimumf %min3A_469, %add3A_554 : vector<16xf32>
        %mul3A_556 = arith.mulf %gather3A_499, %get3A_129 : vector<16xf32>
        %mul3A_557 = arith.mulf %gather3A_509, %get3A_149 : vector<16xf32>
        %add3A_558 = arith.addf %mul3A_556, %mul3A_557 : vector<16xf32>
        %mul3A_559 = arith.mulf %gather3A_519, %get3A_169 : vector<16xf32>
        %add3A_560 = arith.addf %add3A_558, %mul3A_559 : vector<16xf32>
        %add3A_561 = arith.addf %gather3A_529, %get3A_195 : vector<16xf32>
        %add3A_562 = arith.addf %add3A_560, %add3A_561 : vector<16xf32>
        %min3A_563 = arith.minimumf %min3A_477, %add3A_562 : vector<16xf32>
        %mul3A_564 = arith.mulf %gather3A_499, %get3A_134 : vector<16xf32>
        %mul3A_565 = arith.mulf %gather3A_509, %get3A_154 : vector<16xf32>
        %add3A_566 = arith.addf %mul3A_564, %mul3A_565 : vector<16xf32>
        %mul3A_567 = arith.mulf %gather3A_519, %get3A_174 : vector<16xf32>
        %add3A_568 = arith.addf %add3A_566, %mul3A_567 : vector<16xf32>
        %add3A_569 = arith.addf %gather3A_529, %get3A_198 : vector<16xf32>
        %add3A_570 = arith.addf %add3A_568, %add3A_569 : vector<16xf32>
        %min3A_571 = arith.minimumf %min3A_485, %add3A_570 : vector<16xf32>
        %min3A_572 = arith.minimumf %add3A_546, %add3A_554 : vector<16xf32>
        %min3A_573 = arith.minimumf %add3A_562, %add3A_570 : vector<16xf32>
        %min3A_574 = arith.minimumf %min3A_572, %min3A_573 : vector<16xf32>
        %min3A_575 = arith.minimumf %gather3A_539, %min3A_574 : vector<16xf32>
        %lt3A_576 = arith.constant 0 : i32
        %lt3A_577 = vector.broadcast %lt3A_576 : i32 to vector<16xi32>
        %lt3A_578 = arith.cmpi slt, %and3A_36, %lt3A_577 : vector<16xi32>
        %add3A_579 = arith.constant 16 : i32
        %add3A_580 = vector.broadcast %add3A_579 : i32 to vector<16xi32>
        %add3A_581 = arith.addi %and3A_36, %add3A_580 : vector<16xi32>
        %select_n3A_582 = arith.select %lt3A_578, %add3A_581, %and3A_36 : vector<16xi1>, vector<16xi32>
        %reshape3A_583 = vector.shape_cast %select_n3A_582 : vector<16xi32> to vector<16x1xi32>
        %gather3A_584 = vector.shape_cast %reshape3A_583 : vector<16x1xi32> to vector<16xi32>
        %gather3A_585 = tpu.dynamic_gather %gather3A_499[%gather3A_584] in [0] : vector<16xf32>, vector<16xi32> -> vector<16xf32>
        %lt3A_586 = arith.constant 0 : i32
        %lt3A_587 = vector.broadcast %lt3A_586 : i32 to vector<16xi32>
        %lt3A_588 = arith.cmpi slt, %and3A_36, %lt3A_587 : vector<16xi32>
        %add3A_589 = arith.constant 16 : i32
        %add3A_590 = vector.broadcast %add3A_589 : i32 to vector<16xi32>
        %add3A_591 = arith.addi %and3A_36, %add3A_590 : vector<16xi32>
        %select_n3A_592 = arith.select %lt3A_588, %add3A_591, %and3A_36 : vector<16xi1>, vector<16xi32>
        %reshape3A_593 = vector.shape_cast %select_n3A_592 : vector<16xi32> to vector<16x1xi32>
        %gather3A_594 = vector.shape_cast %reshape3A_593 : vector<16x1xi32> to vector<16xi32>
        %gather3A_595 = tpu.dynamic_gather %gather3A_509[%gather3A_594] in [0] : vector<16xf32>, vector<16xi32> -> vector<16xf32>
        %lt3A_596 = arith.constant 0 : i32
        %lt3A_597 = vector.broadcast %lt3A_596 : i32 to vector<16xi32>
        %lt3A_598 = arith.cmpi slt, %and3A_36, %lt3A_597 : vector<16xi32>
        %add3A_599 = arith.constant 16 : i32
        %add3A_600 = vector.broadcast %add3A_599 : i32 to vector<16xi32>
        %add3A_601 = arith.addi %and3A_36, %add3A_600 : vector<16xi32>
        %select_n3A_602 = arith.select %lt3A_598, %add3A_601, %and3A_36 : vector<16xi1>, vector<16xi32>
        %reshape3A_603 = vector.shape_cast %select_n3A_602 : vector<16xi32> to vector<16x1xi32>
        %gather3A_604 = vector.shape_cast %reshape3A_603 : vector<16x1xi32> to vector<16xi32>
        %gather3A_605 = tpu.dynamic_gather %gather3A_519[%gather3A_604] in [0] : vector<16xf32>, vector<16xi32> -> vector<16xf32>
        %lt3A_606 = arith.constant 0 : i32
        %lt3A_607 = vector.broadcast %lt3A_606 : i32 to vector<16xi32>
        %lt3A_608 = arith.cmpi slt, %and3A_36, %lt3A_607 : vector<16xi32>
        %add3A_609 = arith.constant 16 : i32
        %add3A_610 = vector.broadcast %add3A_609 : i32 to vector<16xi32>
        %add3A_611 = arith.addi %and3A_36, %add3A_610 : vector<16xi32>
        %select_n3A_612 = arith.select %lt3A_608, %add3A_611, %and3A_36 : vector<16xi1>, vector<16xi32>
        %reshape3A_613 = vector.shape_cast %select_n3A_612 : vector<16xi32> to vector<16x1xi32>
        %gather3A_614 = vector.shape_cast %reshape3A_613 : vector<16x1xi32> to vector<16xi32>
        %gather3A_615 = tpu.dynamic_gather %gather3A_529[%gather3A_614] in [0] : vector<16xf32>, vector<16xi32> -> vector<16xf32>
        %lt3A_616 = arith.constant 0 : i32
        %lt3A_617 = vector.broadcast %lt3A_616 : i32 to vector<16xi32>
        %lt3A_618 = arith.cmpi slt, %and3A_36, %lt3A_617 : vector<16xi32>
        %add3A_619 = arith.constant 16 : i32
        %add3A_620 = vector.broadcast %add3A_619 : i32 to vector<16xi32>
        %add3A_621 = arith.addi %and3A_36, %add3A_620 : vector<16xi32>
        %select_n3A_622 = arith.select %lt3A_618, %add3A_621, %and3A_36 : vector<16xi1>, vector<16xi32>
        %reshape3A_623 = vector.shape_cast %select_n3A_622 : vector<16xi32> to vector<16x1xi32>
        %gather3A_624 = vector.shape_cast %reshape3A_623 : vector<16x1xi32> to vector<16xi32>
        %gather3A_625 = tpu.dynamic_gather %min3A_575[%gather3A_624] in [0] : vector<16xf32>, vector<16xi32> -> vector<16xf32>
        %mul3A_626 = arith.mulf %gather3A_585, %get3A_119 : vector<16xf32>
        %mul3A_627 = arith.mulf %gather3A_595, %get3A_139 : vector<16xf32>
        %add3A_628 = arith.addf %mul3A_626, %mul3A_627 : vector<16xf32>
        %mul3A_629 = arith.mulf %gather3A_605, %get3A_159 : vector<16xf32>
        %add3A_630 = arith.addf %add3A_628, %mul3A_629 : vector<16xf32>
        %add3A_631 = arith.addf %gather3A_615, %get3A_189 : vector<16xf32>
        %add3A_632 = arith.addf %add3A_630, %add3A_631 : vector<16xf32>
        %min3A_633 = arith.minimumf %min3A_547, %add3A_632 : vector<16xf32>
        %mul3A_634 = arith.mulf %gather3A_585, %get3A_124 : vector<16xf32>
        %mul3A_635 = arith.mulf %gather3A_595, %get3A_144 : vector<16xf32>
        %add3A_636 = arith.addf %mul3A_634, %mul3A_635 : vector<16xf32>
        %mul3A_637 = arith.mulf %gather3A_605, %get3A_164 : vector<16xf32>
        %add3A_638 = arith.addf %add3A_636, %mul3A_637 : vector<16xf32>
        %add3A_639 = arith.addf %gather3A_615, %get3A_192 : vector<16xf32>
        %add3A_640 = arith.addf %add3A_638, %add3A_639 : vector<16xf32>
        %min3A_641 = arith.minimumf %min3A_555, %add3A_640 : vector<16xf32>
        %mul3A_642 = arith.mulf %gather3A_585, %get3A_129 : vector<16xf32>
        %mul3A_643 = arith.mulf %gather3A_595, %get3A_149 : vector<16xf32>
        %add3A_644 = arith.addf %mul3A_642, %mul3A_643 : vector<16xf32>
        %mul3A_645 = arith.mulf %gather3A_605, %get3A_169 : vector<16xf32>
        %add3A_646 = arith.addf %add3A_644, %mul3A_645 : vector<16xf32>
        %add3A_647 = arith.addf %gather3A_615, %get3A_195 : vector<16xf32>
        %add3A_648 = arith.addf %add3A_646, %add3A_647 : vector<16xf32>
        %min3A_649 = arith.minimumf %min3A_563, %add3A_648 : vector<16xf32>
        %mul3A_650 = arith.mulf %gather3A_585, %get3A_134 : vector<16xf32>
        %mul3A_651 = arith.mulf %gather3A_595, %get3A_154 : vector<16xf32>
        %add3A_652 = arith.addf %mul3A_650, %mul3A_651 : vector<16xf32>
        %mul3A_653 = arith.mulf %gather3A_605, %get3A_174 : vector<16xf32>
        %add3A_654 = arith.addf %add3A_652, %mul3A_653 : vector<16xf32>
        %add3A_655 = arith.addf %gather3A_615, %get3A_198 : vector<16xf32>
        %add3A_656 = arith.addf %add3A_654, %add3A_655 : vector<16xf32>
        %min3A_657 = arith.minimumf %min3A_571, %add3A_656 : vector<16xf32>
        %min3A_658 = arith.minimumf %add3A_632, %add3A_640 : vector<16xf32>
        %min3A_659 = arith.minimumf %add3A_648, %add3A_656 : vector<16xf32>
        %min3A_660 = arith.minimumf %min3A_658, %min3A_659 : vector<16xf32>
        %min3A_661 = arith.minimumf %gather3A_625, %min3A_660 : vector<16xf32>
        %lt3A_662 = arith.constant 0 : i32
        %lt3A_663 = vector.broadcast %lt3A_662 : i32 to vector<16xi32>
        %lt3A_664 = arith.cmpi slt, %and3A_36, %lt3A_663 : vector<16xi32>
        %add3A_665 = arith.constant 16 : i32
        %add3A_666 = vector.broadcast %add3A_665 : i32 to vector<16xi32>
        %add3A_667 = arith.addi %and3A_36, %add3A_666 : vector<16xi32>
        %select_n3A_668 = arith.select %lt3A_664, %add3A_667, %and3A_36 : vector<16xi1>, vector<16xi32>
        %reshape3A_669 = vector.shape_cast %select_n3A_668 : vector<16xi32> to vector<16x1xi32>
        %gather3A_670 = vector.shape_cast %reshape3A_669 : vector<16x1xi32> to vector<16xi32>
        %gather3A_671 = tpu.dynamic_gather %gather3A_585[%gather3A_670] in [0] : vector<16xf32>, vector<16xi32> -> vector<16xf32>
        %lt3A_672 = arith.constant 0 : i32
        %lt3A_673 = vector.broadcast %lt3A_672 : i32 to vector<16xi32>
        %lt3A_674 = arith.cmpi slt, %and3A_36, %lt3A_673 : vector<16xi32>
        %add3A_675 = arith.constant 16 : i32
        %add3A_676 = vector.broadcast %add3A_675 : i32 to vector<16xi32>
        %add3A_677 = arith.addi %and3A_36, %add3A_676 : vector<16xi32>
        %select_n3A_678 = arith.select %lt3A_674, %add3A_677, %and3A_36 : vector<16xi1>, vector<16xi32>
        %reshape3A_679 = vector.shape_cast %select_n3A_678 : vector<16xi32> to vector<16x1xi32>
        %gather3A_680 = vector.shape_cast %reshape3A_679 : vector<16x1xi32> to vector<16xi32>
        %gather3A_681 = tpu.dynamic_gather %gather3A_595[%gather3A_680] in [0] : vector<16xf32>, vector<16xi32> -> vector<16xf32>
        %lt3A_682 = arith.constant 0 : i32
        %lt3A_683 = vector.broadcast %lt3A_682 : i32 to vector<16xi32>
        %lt3A_684 = arith.cmpi slt, %and3A_36, %lt3A_683 : vector<16xi32>
        %add3A_685 = arith.constant 16 : i32
        %add3A_686 = vector.broadcast %add3A_685 : i32 to vector<16xi32>
        %add3A_687 = arith.addi %and3A_36, %add3A_686 : vector<16xi32>
        %select_n3A_688 = arith.select %lt3A_684, %add3A_687, %and3A_36 : vector<16xi1>, vector<16xi32>
        %reshape3A_689 = vector.shape_cast %select_n3A_688 : vector<16xi32> to vector<16x1xi32>
        %gather3A_690 = vector.shape_cast %reshape3A_689 : vector<16x1xi32> to vector<16xi32>
        %gather3A_691 = tpu.dynamic_gather %gather3A_605[%gather3A_690] in [0] : vector<16xf32>, vector<16xi32> -> vector<16xf32>
        %lt3A_692 = arith.constant 0 : i32
        %lt3A_693 = vector.broadcast %lt3A_692 : i32 to vector<16xi32>
        %lt3A_694 = arith.cmpi slt, %and3A_36, %lt3A_693 : vector<16xi32>
        %add3A_695 = arith.constant 16 : i32
        %add3A_696 = vector.broadcast %add3A_695 : i32 to vector<16xi32>
        %add3A_697 = arith.addi %and3A_36, %add3A_696 : vector<16xi32>
        %select_n3A_698 = arith.select %lt3A_694, %add3A_697, %and3A_36 : vector<16xi1>, vector<16xi32>
        %reshape3A_699 = vector.shape_cast %select_n3A_698 : vector<16xi32> to vector<16x1xi32>
        %gather3A_700 = vector.shape_cast %reshape3A_699 : vector<16x1xi32> to vector<16xi32>
        %gather3A_701 = tpu.dynamic_gather %gather3A_615[%gather3A_700] in [0] : vector<16xf32>, vector<16xi32> -> vector<16xf32>
        %lt3A_702 = arith.constant 0 : i32
        %lt3A_703 = vector.broadcast %lt3A_702 : i32 to vector<16xi32>
        %lt3A_704 = arith.cmpi slt, %and3A_36, %lt3A_703 : vector<16xi32>
        %add3A_705 = arith.constant 16 : i32
        %add3A_706 = vector.broadcast %add3A_705 : i32 to vector<16xi32>
        %add3A_707 = arith.addi %and3A_36, %add3A_706 : vector<16xi32>
        %select_n3A_708 = arith.select %lt3A_704, %add3A_707, %and3A_36 : vector<16xi1>, vector<16xi32>
        %reshape3A_709 = vector.shape_cast %select_n3A_708 : vector<16xi32> to vector<16x1xi32>
        %gather3A_710 = vector.shape_cast %reshape3A_709 : vector<16x1xi32> to vector<16xi32>
        %gather3A_711 = tpu.dynamic_gather %min3A_661[%gather3A_710] in [0] : vector<16xf32>, vector<16xi32> -> vector<16xf32>
        %mul3A_712 = arith.mulf %gather3A_671, %get3A_119 : vector<16xf32>
        %mul3A_713 = arith.mulf %gather3A_681, %get3A_139 : vector<16xf32>
        %add3A_714 = arith.addf %mul3A_712, %mul3A_713 : vector<16xf32>
        %mul3A_715 = arith.mulf %gather3A_691, %get3A_159 : vector<16xf32>
        %add3A_716 = arith.addf %add3A_714, %mul3A_715 : vector<16xf32>
        %add3A_717 = arith.addf %gather3A_701, %get3A_189 : vector<16xf32>
        %add3A_718 = arith.addf %add3A_716, %add3A_717 : vector<16xf32>
        %min3A_719 = arith.minimumf %min3A_633, %add3A_718 : vector<16xf32>
        %mul3A_720 = arith.mulf %gather3A_671, %get3A_124 : vector<16xf32>
        %mul3A_721 = arith.mulf %gather3A_681, %get3A_144 : vector<16xf32>
        %add3A_722 = arith.addf %mul3A_720, %mul3A_721 : vector<16xf32>
        %mul3A_723 = arith.mulf %gather3A_691, %get3A_164 : vector<16xf32>
        %add3A_724 = arith.addf %add3A_722, %mul3A_723 : vector<16xf32>
        %add3A_725 = arith.addf %gather3A_701, %get3A_192 : vector<16xf32>
        %add3A_726 = arith.addf %add3A_724, %add3A_725 : vector<16xf32>
        %min3A_727 = arith.minimumf %min3A_641, %add3A_726 : vector<16xf32>
        %mul3A_728 = arith.mulf %gather3A_671, %get3A_129 : vector<16xf32>
        %mul3A_729 = arith.mulf %gather3A_681, %get3A_149 : vector<16xf32>
        %add3A_730 = arith.addf %mul3A_728, %mul3A_729 : vector<16xf32>
        %mul3A_731 = arith.mulf %gather3A_691, %get3A_169 : vector<16xf32>
        %add3A_732 = arith.addf %add3A_730, %mul3A_731 : vector<16xf32>
        %add3A_733 = arith.addf %gather3A_701, %get3A_195 : vector<16xf32>
        %add3A_734 = arith.addf %add3A_732, %add3A_733 : vector<16xf32>
        %min3A_735 = arith.minimumf %min3A_649, %add3A_734 : vector<16xf32>
        %mul3A_736 = arith.mulf %gather3A_671, %get3A_134 : vector<16xf32>
        %mul3A_737 = arith.mulf %gather3A_681, %get3A_154 : vector<16xf32>
        %add3A_738 = arith.addf %mul3A_736, %mul3A_737 : vector<16xf32>
        %mul3A_739 = arith.mulf %gather3A_691, %get3A_174 : vector<16xf32>
        %add3A_740 = arith.addf %add3A_738, %mul3A_739 : vector<16xf32>
        %add3A_741 = arith.addf %gather3A_701, %get3A_198 : vector<16xf32>
        %add3A_742 = arith.addf %add3A_740, %add3A_741 : vector<16xf32>
        %min3A_743 = arith.minimumf %min3A_657, %add3A_742 : vector<16xf32>
        %min3A_744 = arith.minimumf %add3A_718, %add3A_726 : vector<16xf32>
        %min3A_745 = arith.minimumf %add3A_734, %add3A_742 : vector<16xf32>
        %min3A_746 = arith.minimumf %min3A_744, %min3A_745 : vector<16xf32>
        %min3A_747 = arith.minimumf %gather3A_711, %min3A_746 : vector<16xf32>
        %lt3A_748 = arith.constant 0 : i32
        %lt3A_749 = vector.broadcast %lt3A_748 : i32 to vector<16xi32>
        %lt3A_750 = arith.cmpi slt, %and3A_36, %lt3A_749 : vector<16xi32>
        %add3A_751 = arith.constant 16 : i32
        %add3A_752 = vector.broadcast %add3A_751 : i32 to vector<16xi32>
        %add3A_753 = arith.addi %and3A_36, %add3A_752 : vector<16xi32>
        %select_n3A_754 = arith.select %lt3A_750, %add3A_753, %and3A_36 : vector<16xi1>, vector<16xi32>
        %reshape3A_755 = vector.shape_cast %select_n3A_754 : vector<16xi32> to vector<16x1xi32>
        %gather3A_756 = vector.shape_cast %reshape3A_755 : vector<16x1xi32> to vector<16xi32>
        %gather3A_757 = tpu.dynamic_gather %gather3A_671[%gather3A_756] in [0] : vector<16xf32>, vector<16xi32> -> vector<16xf32>
        %lt3A_758 = arith.constant 0 : i32
        %lt3A_759 = vector.broadcast %lt3A_758 : i32 to vector<16xi32>
        %lt3A_760 = arith.cmpi slt, %and3A_36, %lt3A_759 : vector<16xi32>
        %add3A_761 = arith.constant 16 : i32
        %add3A_762 = vector.broadcast %add3A_761 : i32 to vector<16xi32>
        %add3A_763 = arith.addi %and3A_36, %add3A_762 : vector<16xi32>
        %select_n3A_764 = arith.select %lt3A_760, %add3A_763, %and3A_36 : vector<16xi1>, vector<16xi32>
        %reshape3A_765 = vector.shape_cast %select_n3A_764 : vector<16xi32> to vector<16x1xi32>
        %gather3A_766 = vector.shape_cast %reshape3A_765 : vector<16x1xi32> to vector<16xi32>
        %gather3A_767 = tpu.dynamic_gather %gather3A_681[%gather3A_766] in [0] : vector<16xf32>, vector<16xi32> -> vector<16xf32>
        %lt3A_768 = arith.constant 0 : i32
        %lt3A_769 = vector.broadcast %lt3A_768 : i32 to vector<16xi32>
        %lt3A_770 = arith.cmpi slt, %and3A_36, %lt3A_769 : vector<16xi32>
        %add3A_771 = arith.constant 16 : i32
        %add3A_772 = vector.broadcast %add3A_771 : i32 to vector<16xi32>
        %add3A_773 = arith.addi %and3A_36, %add3A_772 : vector<16xi32>
        %select_n3A_774 = arith.select %lt3A_770, %add3A_773, %and3A_36 : vector<16xi1>, vector<16xi32>
        %reshape3A_775 = vector.shape_cast %select_n3A_774 : vector<16xi32> to vector<16x1xi32>
        %gather3A_776 = vector.shape_cast %reshape3A_775 : vector<16x1xi32> to vector<16xi32>
        %gather3A_777 = tpu.dynamic_gather %gather3A_691[%gather3A_776] in [0] : vector<16xf32>, vector<16xi32> -> vector<16xf32>
        %lt3A_778 = arith.constant 0 : i32
        %lt3A_779 = vector.broadcast %lt3A_778 : i32 to vector<16xi32>
        %lt3A_780 = arith.cmpi slt, %and3A_36, %lt3A_779 : vector<16xi32>
        %add3A_781 = arith.constant 16 : i32
        %add3A_782 = vector.broadcast %add3A_781 : i32 to vector<16xi32>
        %add3A_783 = arith.addi %and3A_36, %add3A_782 : vector<16xi32>
        %select_n3A_784 = arith.select %lt3A_780, %add3A_783, %and3A_36 : vector<16xi1>, vector<16xi32>
        %reshape3A_785 = vector.shape_cast %select_n3A_784 : vector<16xi32> to vector<16x1xi32>
        %gather3A_786 = vector.shape_cast %reshape3A_785 : vector<16x1xi32> to vector<16xi32>
        %gather3A_787 = tpu.dynamic_gather %gather3A_701[%gather3A_786] in [0] : vector<16xf32>, vector<16xi32> -> vector<16xf32>
        %lt3A_788 = arith.constant 0 : i32
        %lt3A_789 = vector.broadcast %lt3A_788 : i32 to vector<16xi32>
        %lt3A_790 = arith.cmpi slt, %and3A_36, %lt3A_789 : vector<16xi32>
        %add3A_791 = arith.constant 16 : i32
        %add3A_792 = vector.broadcast %add3A_791 : i32 to vector<16xi32>
        %add3A_793 = arith.addi %and3A_36, %add3A_792 : vector<16xi32>
        %select_n3A_794 = arith.select %lt3A_790, %add3A_793, %and3A_36 : vector<16xi1>, vector<16xi32>
        %reshape3A_795 = vector.shape_cast %select_n3A_794 : vector<16xi32> to vector<16x1xi32>
        %gather3A_796 = vector.shape_cast %reshape3A_795 : vector<16x1xi32> to vector<16xi32>
        %gather3A_797 = tpu.dynamic_gather %min3A_747[%gather3A_796] in [0] : vector<16xf32>, vector<16xi32> -> vector<16xf32>
        %mul3A_798 = arith.mulf %gather3A_757, %get3A_119 : vector<16xf32>
        %mul3A_799 = arith.mulf %gather3A_767, %get3A_139 : vector<16xf32>
        %add3A_800 = arith.addf %mul3A_798, %mul3A_799 : vector<16xf32>
        %mul3A_801 = arith.mulf %gather3A_777, %get3A_159 : vector<16xf32>
        %add3A_802 = arith.addf %add3A_800, %mul3A_801 : vector<16xf32>
        %add3A_803 = arith.addf %gather3A_787, %get3A_189 : vector<16xf32>
        %add3A_804 = arith.addf %add3A_802, %add3A_803 : vector<16xf32>
        %min3A_805 = arith.minimumf %min3A_719, %add3A_804 : vector<16xf32>
        %mul3A_806 = arith.mulf %gather3A_757, %get3A_124 : vector<16xf32>
        %mul3A_807 = arith.mulf %gather3A_767, %get3A_144 : vector<16xf32>
        %add3A_808 = arith.addf %mul3A_806, %mul3A_807 : vector<16xf32>
        %mul3A_809 = arith.mulf %gather3A_777, %get3A_164 : vector<16xf32>
        %add3A_810 = arith.addf %add3A_808, %mul3A_809 : vector<16xf32>
        %add3A_811 = arith.addf %gather3A_787, %get3A_192 : vector<16xf32>
        %add3A_812 = arith.addf %add3A_810, %add3A_811 : vector<16xf32>
        %min3A_813 = arith.minimumf %min3A_727, %add3A_812 : vector<16xf32>
        %mul3A_814 = arith.mulf %gather3A_757, %get3A_129 : vector<16xf32>
        %mul3A_815 = arith.mulf %gather3A_767, %get3A_149 : vector<16xf32>
        %add3A_816 = arith.addf %mul3A_814, %mul3A_815 : vector<16xf32>
        %mul3A_817 = arith.mulf %gather3A_777, %get3A_169 : vector<16xf32>
        %add3A_818 = arith.addf %add3A_816, %mul3A_817 : vector<16xf32>
        %add3A_819 = arith.addf %gather3A_787, %get3A_195 : vector<16xf32>
        %add3A_820 = arith.addf %add3A_818, %add3A_819 : vector<16xf32>
        %min3A_821 = arith.minimumf %min3A_735, %add3A_820 : vector<16xf32>
        %mul3A_822 = arith.mulf %gather3A_757, %get3A_134 : vector<16xf32>
        %mul3A_823 = arith.mulf %gather3A_767, %get3A_154 : vector<16xf32>
        %add3A_824 = arith.addf %mul3A_822, %mul3A_823 : vector<16xf32>
        %mul3A_825 = arith.mulf %gather3A_777, %get3A_174 : vector<16xf32>
        %add3A_826 = arith.addf %add3A_824, %mul3A_825 : vector<16xf32>
        %add3A_827 = arith.addf %gather3A_787, %get3A_198 : vector<16xf32>
        %add3A_828 = arith.addf %add3A_826, %add3A_827 : vector<16xf32>
        %min3A_829 = arith.minimumf %min3A_743, %add3A_828 : vector<16xf32>
        %min3A_830 = arith.minimumf %add3A_804, %add3A_812 : vector<16xf32>
        %min3A_831 = arith.minimumf %add3A_820, %add3A_828 : vector<16xf32>
        %min3A_832 = arith.minimumf %min3A_830, %min3A_831 : vector<16xf32>
        %min3A_833 = arith.minimumf %gather3A_797, %min3A_832 : vector<16xf32>
        %lt3A_834 = arith.constant 0 : i32
        %lt3A_835 = vector.broadcast %lt3A_834 : i32 to vector<16xi32>
        %lt3A_836 = arith.cmpi slt, %and3A_36, %lt3A_835 : vector<16xi32>
        %add3A_837 = arith.constant 16 : i32
        %add3A_838 = vector.broadcast %add3A_837 : i32 to vector<16xi32>
        %add3A_839 = arith.addi %and3A_36, %add3A_838 : vector<16xi32>
        %select_n3A_840 = arith.select %lt3A_836, %add3A_839, %and3A_36 : vector<16xi1>, vector<16xi32>
        %reshape3A_841 = vector.shape_cast %select_n3A_840 : vector<16xi32> to vector<16x1xi32>
        %gather3A_842 = vector.shape_cast %reshape3A_841 : vector<16x1xi32> to vector<16xi32>
        %gather3A_843 = tpu.dynamic_gather %gather3A_757[%gather3A_842] in [0] : vector<16xf32>, vector<16xi32> -> vector<16xf32>
        %lt3A_844 = arith.constant 0 : i32
        %lt3A_845 = vector.broadcast %lt3A_844 : i32 to vector<16xi32>
        %lt3A_846 = arith.cmpi slt, %and3A_36, %lt3A_845 : vector<16xi32>
        %add3A_847 = arith.constant 16 : i32
        %add3A_848 = vector.broadcast %add3A_847 : i32 to vector<16xi32>
        %add3A_849 = arith.addi %and3A_36, %add3A_848 : vector<16xi32>
        %select_n3A_850 = arith.select %lt3A_846, %add3A_849, %and3A_36 : vector<16xi1>, vector<16xi32>
        %reshape3A_851 = vector.shape_cast %select_n3A_850 : vector<16xi32> to vector<16x1xi32>
        %gather3A_852 = vector.shape_cast %reshape3A_851 : vector<16x1xi32> to vector<16xi32>
        %gather3A_853 = tpu.dynamic_gather %gather3A_767[%gather3A_852] in [0] : vector<16xf32>, vector<16xi32> -> vector<16xf32>
        %lt3A_854 = arith.constant 0 : i32
        %lt3A_855 = vector.broadcast %lt3A_854 : i32 to vector<16xi32>
        %lt3A_856 = arith.cmpi slt, %and3A_36, %lt3A_855 : vector<16xi32>
        %add3A_857 = arith.constant 16 : i32
        %add3A_858 = vector.broadcast %add3A_857 : i32 to vector<16xi32>
        %add3A_859 = arith.addi %and3A_36, %add3A_858 : vector<16xi32>
        %select_n3A_860 = arith.select %lt3A_856, %add3A_859, %and3A_36 : vector<16xi1>, vector<16xi32>
        %reshape3A_861 = vector.shape_cast %select_n3A_860 : vector<16xi32> to vector<16x1xi32>
        %gather3A_862 = vector.shape_cast %reshape3A_861 : vector<16x1xi32> to vector<16xi32>
        %gather3A_863 = tpu.dynamic_gather %gather3A_777[%gather3A_862] in [0] : vector<16xf32>, vector<16xi32> -> vector<16xf32>
        %lt3A_864 = arith.constant 0 : i32
        %lt3A_865 = vector.broadcast %lt3A_864 : i32 to vector<16xi32>
        %lt3A_866 = arith.cmpi slt, %and3A_36, %lt3A_865 : vector<16xi32>
        %add3A_867 = arith.constant 16 : i32
        %add3A_868 = vector.broadcast %add3A_867 : i32 to vector<16xi32>
        %add3A_869 = arith.addi %and3A_36, %add3A_868 : vector<16xi32>
        %select_n3A_870 = arith.select %lt3A_866, %add3A_869, %and3A_36 : vector<16xi1>, vector<16xi32>
        %reshape3A_871 = vector.shape_cast %select_n3A_870 : vector<16xi32> to vector<16x1xi32>
        %gather3A_872 = vector.shape_cast %reshape3A_871 : vector<16x1xi32> to vector<16xi32>
        %gather3A_873 = tpu.dynamic_gather %gather3A_787[%gather3A_872] in [0] : vector<16xf32>, vector<16xi32> -> vector<16xf32>
        %lt3A_874 = arith.constant 0 : i32
        %lt3A_875 = vector.broadcast %lt3A_874 : i32 to vector<16xi32>
        %lt3A_876 = arith.cmpi slt, %and3A_36, %lt3A_875 : vector<16xi32>
        %add3A_877 = arith.constant 16 : i32
        %add3A_878 = vector.broadcast %add3A_877 : i32 to vector<16xi32>
        %add3A_879 = arith.addi %and3A_36, %add3A_878 : vector<16xi32>
        %select_n3A_880 = arith.select %lt3A_876, %add3A_879, %and3A_36 : vector<16xi1>, vector<16xi32>
        %reshape3A_881 = vector.shape_cast %select_n3A_880 : vector<16xi32> to vector<16x1xi32>
        %gather3A_882 = vector.shape_cast %reshape3A_881 : vector<16x1xi32> to vector<16xi32>
        %gather3A_883 = tpu.dynamic_gather %min3A_833[%gather3A_882] in [0] : vector<16xf32>, vector<16xi32> -> vector<16xf32>
        %mul3A_884 = arith.mulf %gather3A_843, %get3A_119 : vector<16xf32>
        %mul3A_885 = arith.mulf %gather3A_853, %get3A_139 : vector<16xf32>
        %add3A_886 = arith.addf %mul3A_884, %mul3A_885 : vector<16xf32>
        %mul3A_887 = arith.mulf %gather3A_863, %get3A_159 : vector<16xf32>
        %add3A_888 = arith.addf %add3A_886, %mul3A_887 : vector<16xf32>
        %add3A_889 = arith.addf %gather3A_873, %get3A_189 : vector<16xf32>
        %add3A_890 = arith.addf %add3A_888, %add3A_889 : vector<16xf32>
        %min3A_891 = arith.minimumf %min3A_805, %add3A_890 : vector<16xf32>
        %mul3A_892 = arith.mulf %gather3A_843, %get3A_124 : vector<16xf32>
        %mul3A_893 = arith.mulf %gather3A_853, %get3A_144 : vector<16xf32>
        %add3A_894 = arith.addf %mul3A_892, %mul3A_893 : vector<16xf32>
        %mul3A_895 = arith.mulf %gather3A_863, %get3A_164 : vector<16xf32>
        %add3A_896 = arith.addf %add3A_894, %mul3A_895 : vector<16xf32>
        %add3A_897 = arith.addf %gather3A_873, %get3A_192 : vector<16xf32>
        %add3A_898 = arith.addf %add3A_896, %add3A_897 : vector<16xf32>
        %min3A_899 = arith.minimumf %min3A_813, %add3A_898 : vector<16xf32>
        %mul3A_900 = arith.mulf %gather3A_843, %get3A_129 : vector<16xf32>
        %mul3A_901 = arith.mulf %gather3A_853, %get3A_149 : vector<16xf32>
        %add3A_902 = arith.addf %mul3A_900, %mul3A_901 : vector<16xf32>
        %mul3A_903 = arith.mulf %gather3A_863, %get3A_169 : vector<16xf32>
        %add3A_904 = arith.addf %add3A_902, %mul3A_903 : vector<16xf32>
        %add3A_905 = arith.addf %gather3A_873, %get3A_195 : vector<16xf32>
        %add3A_906 = arith.addf %add3A_904, %add3A_905 : vector<16xf32>
        %min3A_907 = arith.minimumf %min3A_821, %add3A_906 : vector<16xf32>
        %mul3A_908 = arith.mulf %gather3A_843, %get3A_134 : vector<16xf32>
        %mul3A_909 = arith.mulf %gather3A_853, %get3A_154 : vector<16xf32>
        %add3A_910 = arith.addf %mul3A_908, %mul3A_909 : vector<16xf32>
        %mul3A_911 = arith.mulf %gather3A_863, %get3A_174 : vector<16xf32>
        %add3A_912 = arith.addf %add3A_910, %mul3A_911 : vector<16xf32>
        %add3A_913 = arith.addf %gather3A_873, %get3A_198 : vector<16xf32>
        %add3A_914 = arith.addf %add3A_912, %add3A_913 : vector<16xf32>
        %min3A_915 = arith.minimumf %min3A_829, %add3A_914 : vector<16xf32>
        %min3A_916 = arith.minimumf %add3A_890, %add3A_898 : vector<16xf32>
        %min3A_917 = arith.minimumf %add3A_906, %add3A_914 : vector<16xf32>
        %min3A_918 = arith.minimumf %min3A_916, %min3A_917 : vector<16xf32>
        %min3A_919 = arith.minimumf %gather3A_883, %min3A_918 : vector<16xf32>
        %lt3A_920 = arith.constant 0 : i32
        %lt3A_921 = vector.broadcast %lt3A_920 : i32 to vector<16xi32>
        %lt3A_922 = arith.cmpi slt, %and3A_36, %lt3A_921 : vector<16xi32>
        %add3A_923 = arith.constant 16 : i32
        %add3A_924 = vector.broadcast %add3A_923 : i32 to vector<16xi32>
        %add3A_925 = arith.addi %and3A_36, %add3A_924 : vector<16xi32>
        %select_n3A_926 = arith.select %lt3A_922, %add3A_925, %and3A_36 : vector<16xi1>, vector<16xi32>
        %reshape3A_927 = vector.shape_cast %select_n3A_926 : vector<16xi32> to vector<16x1xi32>
        %gather3A_928 = vector.shape_cast %reshape3A_927 : vector<16x1xi32> to vector<16xi32>
        %gather3A_929 = tpu.dynamic_gather %gather3A_843[%gather3A_928] in [0] : vector<16xf32>, vector<16xi32> -> vector<16xf32>
        %lt3A_930 = arith.constant 0 : i32
        %lt3A_931 = vector.broadcast %lt3A_930 : i32 to vector<16xi32>
        %lt3A_932 = arith.cmpi slt, %and3A_36, %lt3A_931 : vector<16xi32>
        %add3A_933 = arith.constant 16 : i32
        %add3A_934 = vector.broadcast %add3A_933 : i32 to vector<16xi32>
        %add3A_935 = arith.addi %and3A_36, %add3A_934 : vector<16xi32>
        %select_n3A_936 = arith.select %lt3A_932, %add3A_935, %and3A_36 : vector<16xi1>, vector<16xi32>
        %reshape3A_937 = vector.shape_cast %select_n3A_936 : vector<16xi32> to vector<16x1xi32>
        %gather3A_938 = vector.shape_cast %reshape3A_937 : vector<16x1xi32> to vector<16xi32>
        %gather3A_939 = tpu.dynamic_gather %gather3A_853[%gather3A_938] in [0] : vector<16xf32>, vector<16xi32> -> vector<16xf32>
        %lt3A_940 = arith.constant 0 : i32
        %lt3A_941 = vector.broadcast %lt3A_940 : i32 to vector<16xi32>
        %lt3A_942 = arith.cmpi slt, %and3A_36, %lt3A_941 : vector<16xi32>
        %add3A_943 = arith.constant 16 : i32
        %add3A_944 = vector.broadcast %add3A_943 : i32 to vector<16xi32>
        %add3A_945 = arith.addi %and3A_36, %add3A_944 : vector<16xi32>
        %select_n3A_946 = arith.select %lt3A_942, %add3A_945, %and3A_36 : vector<16xi1>, vector<16xi32>
        %reshape3A_947 = vector.shape_cast %select_n3A_946 : vector<16xi32> to vector<16x1xi32>
        %gather3A_948 = vector.shape_cast %reshape3A_947 : vector<16x1xi32> to vector<16xi32>
        %gather3A_949 = tpu.dynamic_gather %gather3A_863[%gather3A_948] in [0] : vector<16xf32>, vector<16xi32> -> vector<16xf32>
        %lt3A_950 = arith.constant 0 : i32
        %lt3A_951 = vector.broadcast %lt3A_950 : i32 to vector<16xi32>
        %lt3A_952 = arith.cmpi slt, %and3A_36, %lt3A_951 : vector<16xi32>
        %add3A_953 = arith.constant 16 : i32
        %add3A_954 = vector.broadcast %add3A_953 : i32 to vector<16xi32>
        %add3A_955 = arith.addi %and3A_36, %add3A_954 : vector<16xi32>
        %select_n3A_956 = arith.select %lt3A_952, %add3A_955, %and3A_36 : vector<16xi1>, vector<16xi32>
        %reshape3A_957 = vector.shape_cast %select_n3A_956 : vector<16xi32> to vector<16x1xi32>
        %gather3A_958 = vector.shape_cast %reshape3A_957 : vector<16x1xi32> to vector<16xi32>
        %gather3A_959 = tpu.dynamic_gather %gather3A_873[%gather3A_958] in [0] : vector<16xf32>, vector<16xi32> -> vector<16xf32>
        %lt3A_960 = arith.constant 0 : i32
        %lt3A_961 = vector.broadcast %lt3A_960 : i32 to vector<16xi32>
        %lt3A_962 = arith.cmpi slt, %and3A_36, %lt3A_961 : vector<16xi32>
        %add3A_963 = arith.constant 16 : i32
        %add3A_964 = vector.broadcast %add3A_963 : i32 to vector<16xi32>
        %add3A_965 = arith.addi %and3A_36, %add3A_964 : vector<16xi32>
        %select_n3A_966 = arith.select %lt3A_962, %add3A_965, %and3A_36 : vector<16xi1>, vector<16xi32>
        %reshape3A_967 = vector.shape_cast %select_n3A_966 : vector<16xi32> to vector<16x1xi32>
        %gather3A_968 = vector.shape_cast %reshape3A_967 : vector<16x1xi32> to vector<16xi32>
        %gather3A_969 = tpu.dynamic_gather %min3A_919[%gather3A_968] in [0] : vector<16xf32>, vector<16xi32> -> vector<16xf32>
        %mul3A_970 = arith.mulf %gather3A_929, %get3A_119 : vector<16xf32>
        %mul3A_971 = arith.mulf %gather3A_939, %get3A_139 : vector<16xf32>
        %add3A_972 = arith.addf %mul3A_970, %mul3A_971 : vector<16xf32>
        %mul3A_973 = arith.mulf %gather3A_949, %get3A_159 : vector<16xf32>
        %add3A_974 = arith.addf %add3A_972, %mul3A_973 : vector<16xf32>
        %add3A_975 = arith.addf %gather3A_959, %get3A_189 : vector<16xf32>
        %add3A_976 = arith.addf %add3A_974, %add3A_975 : vector<16xf32>
        %min3A_977 = arith.minimumf %min3A_891, %add3A_976 : vector<16xf32>
        %mul3A_978 = arith.mulf %gather3A_929, %get3A_124 : vector<16xf32>
        %mul3A_979 = arith.mulf %gather3A_939, %get3A_144 : vector<16xf32>
        %add3A_980 = arith.addf %mul3A_978, %mul3A_979 : vector<16xf32>
        %mul3A_981 = arith.mulf %gather3A_949, %get3A_164 : vector<16xf32>
        %add3A_982 = arith.addf %add3A_980, %mul3A_981 : vector<16xf32>
        %add3A_983 = arith.addf %gather3A_959, %get3A_192 : vector<16xf32>
        %add3A_984 = arith.addf %add3A_982, %add3A_983 : vector<16xf32>
        %min3A_985 = arith.minimumf %min3A_899, %add3A_984 : vector<16xf32>
        %mul3A_986 = arith.mulf %gather3A_929, %get3A_129 : vector<16xf32>
        %mul3A_987 = arith.mulf %gather3A_939, %get3A_149 : vector<16xf32>
        %add3A_988 = arith.addf %mul3A_986, %mul3A_987 : vector<16xf32>
        %mul3A_989 = arith.mulf %gather3A_949, %get3A_169 : vector<16xf32>
        %add3A_990 = arith.addf %add3A_988, %mul3A_989 : vector<16xf32>
        %add3A_991 = arith.addf %gather3A_959, %get3A_195 : vector<16xf32>
        %add3A_992 = arith.addf %add3A_990, %add3A_991 : vector<16xf32>
        %min3A_993 = arith.minimumf %min3A_907, %add3A_992 : vector<16xf32>
        %mul3A_994 = arith.mulf %gather3A_929, %get3A_134 : vector<16xf32>
        %mul3A_995 = arith.mulf %gather3A_939, %get3A_154 : vector<16xf32>
        %add3A_996 = arith.addf %mul3A_994, %mul3A_995 : vector<16xf32>
        %mul3A_997 = arith.mulf %gather3A_949, %get3A_174 : vector<16xf32>
        %add3A_998 = arith.addf %add3A_996, %mul3A_997 : vector<16xf32>
        %add3A_999 = arith.addf %gather3A_959, %get3A_198 : vector<16xf32>
        %add3A_1000 = arith.addf %add3A_998, %add3A_999 : vector<16xf32>
        %min3A_1001 = arith.minimumf %min3A_915, %add3A_1000 : vector<16xf32>
        %min3A_1002 = arith.minimumf %add3A_976, %add3A_984 : vector<16xf32>
        %min3A_1003 = arith.minimumf %add3A_992, %add3A_1000 : vector<16xf32>
        %min3A_1004 = arith.minimumf %min3A_1002, %min3A_1003 : vector<16xf32>
        %min3A_1005 = arith.minimumf %gather3A_969, %min3A_1004 : vector<16xf32>
        %lt3A_1006 = arith.constant 0 : i32
        %lt3A_1007 = vector.broadcast %lt3A_1006 : i32 to vector<16xi32>
        %lt3A_1008 = arith.cmpi slt, %and3A_36, %lt3A_1007 : vector<16xi32>
        %add3A_1009 = arith.constant 16 : i32
        %add3A_1010 = vector.broadcast %add3A_1009 : i32 to vector<16xi32>
        %add3A_1011 = arith.addi %and3A_36, %add3A_1010 : vector<16xi32>
        %select_n3A_1012 = arith.select %lt3A_1008, %add3A_1011, %and3A_36 : vector<16xi1>, vector<16xi32>
        %reshape3A_1013 = vector.shape_cast %select_n3A_1012 : vector<16xi32> to vector<16x1xi32>
        %gather3A_1014 = vector.shape_cast %reshape3A_1013 : vector<16x1xi32> to vector<16xi32>
        %gather3A_1015 = tpu.dynamic_gather %gather3A_929[%gather3A_1014] in [0] : vector<16xf32>, vector<16xi32> -> vector<16xf32>
        %lt3A_1016 = arith.constant 0 : i32
        %lt3A_1017 = vector.broadcast %lt3A_1016 : i32 to vector<16xi32>
        %lt3A_1018 = arith.cmpi slt, %and3A_36, %lt3A_1017 : vector<16xi32>
        %add3A_1019 = arith.constant 16 : i32
        %add3A_1020 = vector.broadcast %add3A_1019 : i32 to vector<16xi32>
        %add3A_1021 = arith.addi %and3A_36, %add3A_1020 : vector<16xi32>
        %select_n3A_1022 = arith.select %lt3A_1018, %add3A_1021, %and3A_36 : vector<16xi1>, vector<16xi32>
        %reshape3A_1023 = vector.shape_cast %select_n3A_1022 : vector<16xi32> to vector<16x1xi32>
        %gather3A_1024 = vector.shape_cast %reshape3A_1023 : vector<16x1xi32> to vector<16xi32>
        %gather3A_1025 = tpu.dynamic_gather %gather3A_939[%gather3A_1024] in [0] : vector<16xf32>, vector<16xi32> -> vector<16xf32>
        %lt3A_1026 = arith.constant 0 : i32
        %lt3A_1027 = vector.broadcast %lt3A_1026 : i32 to vector<16xi32>
        %lt3A_1028 = arith.cmpi slt, %and3A_36, %lt3A_1027 : vector<16xi32>
        %add3A_1029 = arith.constant 16 : i32
        %add3A_1030 = vector.broadcast %add3A_1029 : i32 to vector<16xi32>
        %add3A_1031 = arith.addi %and3A_36, %add3A_1030 : vector<16xi32>
        %select_n3A_1032 = arith.select %lt3A_1028, %add3A_1031, %and3A_36 : vector<16xi1>, vector<16xi32>
        %reshape3A_1033 = vector.shape_cast %select_n3A_1032 : vector<16xi32> to vector<16x1xi32>
        %gather3A_1034 = vector.shape_cast %reshape3A_1033 : vector<16x1xi32> to vector<16xi32>
        %gather3A_1035 = tpu.dynamic_gather %gather3A_949[%gather3A_1034] in [0] : vector<16xf32>, vector<16xi32> -> vector<16xf32>
        %lt3A_1036 = arith.constant 0 : i32
        %lt3A_1037 = vector.broadcast %lt3A_1036 : i32 to vector<16xi32>
        %lt3A_1038 = arith.cmpi slt, %and3A_36, %lt3A_1037 : vector<16xi32>
        %add3A_1039 = arith.constant 16 : i32
        %add3A_1040 = vector.broadcast %add3A_1039 : i32 to vector<16xi32>
        %add3A_1041 = arith.addi %and3A_36, %add3A_1040 : vector<16xi32>
        %select_n3A_1042 = arith.select %lt3A_1038, %add3A_1041, %and3A_36 : vector<16xi1>, vector<16xi32>
        %reshape3A_1043 = vector.shape_cast %select_n3A_1042 : vector<16xi32> to vector<16x1xi32>
        %gather3A_1044 = vector.shape_cast %reshape3A_1043 : vector<16x1xi32> to vector<16xi32>
        %gather3A_1045 = tpu.dynamic_gather %gather3A_959[%gather3A_1044] in [0] : vector<16xf32>, vector<16xi32> -> vector<16xf32>
        %lt3A_1046 = arith.constant 0 : i32
        %lt3A_1047 = vector.broadcast %lt3A_1046 : i32 to vector<16xi32>
        %lt3A_1048 = arith.cmpi slt, %and3A_36, %lt3A_1047 : vector<16xi32>
        %add3A_1049 = arith.constant 16 : i32
        %add3A_1050 = vector.broadcast %add3A_1049 : i32 to vector<16xi32>
        %add3A_1051 = arith.addi %and3A_36, %add3A_1050 : vector<16xi32>
        %select_n3A_1052 = arith.select %lt3A_1048, %add3A_1051, %and3A_36 : vector<16xi1>, vector<16xi32>
        %reshape3A_1053 = vector.shape_cast %select_n3A_1052 : vector<16xi32> to vector<16x1xi32>
        %gather3A_1054 = vector.shape_cast %reshape3A_1053 : vector<16x1xi32> to vector<16xi32>
        %gather3A_1055 = tpu.dynamic_gather %min3A_1005[%gather3A_1054] in [0] : vector<16xf32>, vector<16xi32> -> vector<16xf32>
        %mul3A_1056 = arith.mulf %gather3A_1015, %get3A_119 : vector<16xf32>
        %mul3A_1057 = arith.mulf %gather3A_1025, %get3A_139 : vector<16xf32>
        %add3A_1058 = arith.addf %mul3A_1056, %mul3A_1057 : vector<16xf32>
        %mul3A_1059 = arith.mulf %gather3A_1035, %get3A_159 : vector<16xf32>
        %add3A_1060 = arith.addf %add3A_1058, %mul3A_1059 : vector<16xf32>
        %add3A_1061 = arith.addf %gather3A_1045, %get3A_189 : vector<16xf32>
        %add3A_1062 = arith.addf %add3A_1060, %add3A_1061 : vector<16xf32>
        %min3A_1063 = arith.minimumf %min3A_977, %add3A_1062 : vector<16xf32>
        %mul3A_1064 = arith.mulf %gather3A_1015, %get3A_124 : vector<16xf32>
        %mul3A_1065 = arith.mulf %gather3A_1025, %get3A_144 : vector<16xf32>
        %add3A_1066 = arith.addf %mul3A_1064, %mul3A_1065 : vector<16xf32>
        %mul3A_1067 = arith.mulf %gather3A_1035, %get3A_164 : vector<16xf32>
        %add3A_1068 = arith.addf %add3A_1066, %mul3A_1067 : vector<16xf32>
        %add3A_1069 = arith.addf %gather3A_1045, %get3A_192 : vector<16xf32>
        %add3A_1070 = arith.addf %add3A_1068, %add3A_1069 : vector<16xf32>
        %min3A_1071 = arith.minimumf %min3A_985, %add3A_1070 : vector<16xf32>
        %mul3A_1072 = arith.mulf %gather3A_1015, %get3A_129 : vector<16xf32>
        %mul3A_1073 = arith.mulf %gather3A_1025, %get3A_149 : vector<16xf32>
        %add3A_1074 = arith.addf %mul3A_1072, %mul3A_1073 : vector<16xf32>
        %mul3A_1075 = arith.mulf %gather3A_1035, %get3A_169 : vector<16xf32>
        %add3A_1076 = arith.addf %add3A_1074, %mul3A_1075 : vector<16xf32>
        %add3A_1077 = arith.addf %gather3A_1045, %get3A_195 : vector<16xf32>
        %add3A_1078 = arith.addf %add3A_1076, %add3A_1077 : vector<16xf32>
        %min3A_1079 = arith.minimumf %min3A_993, %add3A_1078 : vector<16xf32>
        %mul3A_1080 = arith.mulf %gather3A_1015, %get3A_134 : vector<16xf32>
        %mul3A_1081 = arith.mulf %gather3A_1025, %get3A_154 : vector<16xf32>
        %add3A_1082 = arith.addf %mul3A_1080, %mul3A_1081 : vector<16xf32>
        %mul3A_1083 = arith.mulf %gather3A_1035, %get3A_174 : vector<16xf32>
        %add3A_1084 = arith.addf %add3A_1082, %mul3A_1083 : vector<16xf32>
        %add3A_1085 = arith.addf %gather3A_1045, %get3A_198 : vector<16xf32>
        %add3A_1086 = arith.addf %add3A_1084, %add3A_1085 : vector<16xf32>
        %min3A_1087 = arith.minimumf %min3A_1001, %add3A_1086 : vector<16xf32>
        %min3A_1088 = arith.minimumf %add3A_1062, %add3A_1070 : vector<16xf32>
        %min3A_1089 = arith.minimumf %add3A_1078, %add3A_1086 : vector<16xf32>
        %min3A_1090 = arith.minimumf %min3A_1088, %min3A_1089 : vector<16xf32>
        %min3A_1091 = arith.minimumf %gather3A_1055, %min3A_1090 : vector<16xf32>
        %lt3A_1092 = arith.constant 0 : i32
        %lt3A_1093 = vector.broadcast %lt3A_1092 : i32 to vector<16xi32>
        %lt3A_1094 = arith.cmpi slt, %and3A_36, %lt3A_1093 : vector<16xi32>
        %add3A_1095 = arith.constant 16 : i32
        %add3A_1096 = vector.broadcast %add3A_1095 : i32 to vector<16xi32>
        %add3A_1097 = arith.addi %and3A_36, %add3A_1096 : vector<16xi32>
        %select_n3A_1098 = arith.select %lt3A_1094, %add3A_1097, %and3A_36 : vector<16xi1>, vector<16xi32>
        %reshape3A_1099 = vector.shape_cast %select_n3A_1098 : vector<16xi32> to vector<16x1xi32>
        %gather3A_1100 = vector.shape_cast %reshape3A_1099 : vector<16x1xi32> to vector<16xi32>
        %gather3A_1101 = tpu.dynamic_gather %gather3A_1015[%gather3A_1100] in [0] : vector<16xf32>, vector<16xi32> -> vector<16xf32>
        %lt3A_1102 = arith.constant 0 : i32
        %lt3A_1103 = vector.broadcast %lt3A_1102 : i32 to vector<16xi32>
        %lt3A_1104 = arith.cmpi slt, %and3A_36, %lt3A_1103 : vector<16xi32>
        %add3A_1105 = arith.constant 16 : i32
        %add3A_1106 = vector.broadcast %add3A_1105 : i32 to vector<16xi32>
        %add3A_1107 = arith.addi %and3A_36, %add3A_1106 : vector<16xi32>
        %select_n3A_1108 = arith.select %lt3A_1104, %add3A_1107, %and3A_36 : vector<16xi1>, vector<16xi32>
        %reshape3A_1109 = vector.shape_cast %select_n3A_1108 : vector<16xi32> to vector<16x1xi32>
        %gather3A_1110 = vector.shape_cast %reshape3A_1109 : vector<16x1xi32> to vector<16xi32>
        %gather3A_1111 = tpu.dynamic_gather %gather3A_1025[%gather3A_1110] in [0] : vector<16xf32>, vector<16xi32> -> vector<16xf32>
        %lt3A_1112 = arith.constant 0 : i32
        %lt3A_1113 = vector.broadcast %lt3A_1112 : i32 to vector<16xi32>
        %lt3A_1114 = arith.cmpi slt, %and3A_36, %lt3A_1113 : vector<16xi32>
        %add3A_1115 = arith.constant 16 : i32
        %add3A_1116 = vector.broadcast %add3A_1115 : i32 to vector<16xi32>
        %add3A_1117 = arith.addi %and3A_36, %add3A_1116 : vector<16xi32>
        %select_n3A_1118 = arith.select %lt3A_1114, %add3A_1117, %and3A_36 : vector<16xi1>, vector<16xi32>
        %reshape3A_1119 = vector.shape_cast %select_n3A_1118 : vector<16xi32> to vector<16x1xi32>
        %gather3A_1120 = vector.shape_cast %reshape3A_1119 : vector<16x1xi32> to vector<16xi32>
        %gather3A_1121 = tpu.dynamic_gather %gather3A_1035[%gather3A_1120] in [0] : vector<16xf32>, vector<16xi32> -> vector<16xf32>
        %lt3A_1122 = arith.constant 0 : i32
        %lt3A_1123 = vector.broadcast %lt3A_1122 : i32 to vector<16xi32>
        %lt3A_1124 = arith.cmpi slt, %and3A_36, %lt3A_1123 : vector<16xi32>
        %add3A_1125 = arith.constant 16 : i32
        %add3A_1126 = vector.broadcast %add3A_1125 : i32 to vector<16xi32>
        %add3A_1127 = arith.addi %and3A_36, %add3A_1126 : vector<16xi32>
        %select_n3A_1128 = arith.select %lt3A_1124, %add3A_1127, %and3A_36 : vector<16xi1>, vector<16xi32>
        %reshape3A_1129 = vector.shape_cast %select_n3A_1128 : vector<16xi32> to vector<16x1xi32>
        %gather3A_1130 = vector.shape_cast %reshape3A_1129 : vector<16x1xi32> to vector<16xi32>
        %gather3A_1131 = tpu.dynamic_gather %gather3A_1045[%gather3A_1130] in [0] : vector<16xf32>, vector<16xi32> -> vector<16xf32>
        %lt3A_1132 = arith.constant 0 : i32
        %lt3A_1133 = vector.broadcast %lt3A_1132 : i32 to vector<16xi32>
        %lt3A_1134 = arith.cmpi slt, %and3A_36, %lt3A_1133 : vector<16xi32>
        %add3A_1135 = arith.constant 16 : i32
        %add3A_1136 = vector.broadcast %add3A_1135 : i32 to vector<16xi32>
        %add3A_1137 = arith.addi %and3A_36, %add3A_1136 : vector<16xi32>
        %select_n3A_1138 = arith.select %lt3A_1134, %add3A_1137, %and3A_36 : vector<16xi1>, vector<16xi32>
        %reshape3A_1139 = vector.shape_cast %select_n3A_1138 : vector<16xi32> to vector<16x1xi32>
        %gather3A_1140 = vector.shape_cast %reshape3A_1139 : vector<16x1xi32> to vector<16xi32>
        %gather3A_1141 = tpu.dynamic_gather %min3A_1091[%gather3A_1140] in [0] : vector<16xf32>, vector<16xi32> -> vector<16xf32>
        %mul3A_1142 = arith.mulf %gather3A_1101, %get3A_119 : vector<16xf32>
        %mul3A_1143 = arith.mulf %gather3A_1111, %get3A_139 : vector<16xf32>
        %add3A_1144 = arith.addf %mul3A_1142, %mul3A_1143 : vector<16xf32>
        %mul3A_1145 = arith.mulf %gather3A_1121, %get3A_159 : vector<16xf32>
        %add3A_1146 = arith.addf %add3A_1144, %mul3A_1145 : vector<16xf32>
        %add3A_1147 = arith.addf %gather3A_1131, %get3A_189 : vector<16xf32>
        %add3A_1148 = arith.addf %add3A_1146, %add3A_1147 : vector<16xf32>
        %min3A_1149 = arith.minimumf %min3A_1063, %add3A_1148 : vector<16xf32>
        %mul3A_1150 = arith.mulf %gather3A_1101, %get3A_124 : vector<16xf32>
        %mul3A_1151 = arith.mulf %gather3A_1111, %get3A_144 : vector<16xf32>
        %add3A_1152 = arith.addf %mul3A_1150, %mul3A_1151 : vector<16xf32>
        %mul3A_1153 = arith.mulf %gather3A_1121, %get3A_164 : vector<16xf32>
        %add3A_1154 = arith.addf %add3A_1152, %mul3A_1153 : vector<16xf32>
        %add3A_1155 = arith.addf %gather3A_1131, %get3A_192 : vector<16xf32>
        %add3A_1156 = arith.addf %add3A_1154, %add3A_1155 : vector<16xf32>
        %min3A_1157 = arith.minimumf %min3A_1071, %add3A_1156 : vector<16xf32>
        %mul3A_1158 = arith.mulf %gather3A_1101, %get3A_129 : vector<16xf32>
        %mul3A_1159 = arith.mulf %gather3A_1111, %get3A_149 : vector<16xf32>
        %add3A_1160 = arith.addf %mul3A_1158, %mul3A_1159 : vector<16xf32>
        %mul3A_1161 = arith.mulf %gather3A_1121, %get3A_169 : vector<16xf32>
        %add3A_1162 = arith.addf %add3A_1160, %mul3A_1161 : vector<16xf32>
        %add3A_1163 = arith.addf %gather3A_1131, %get3A_195 : vector<16xf32>
        %add3A_1164 = arith.addf %add3A_1162, %add3A_1163 : vector<16xf32>
        %min3A_1165 = arith.minimumf %min3A_1079, %add3A_1164 : vector<16xf32>
        %mul3A_1166 = arith.mulf %gather3A_1101, %get3A_134 : vector<16xf32>
        %mul3A_1167 = arith.mulf %gather3A_1111, %get3A_154 : vector<16xf32>
        %add3A_1168 = arith.addf %mul3A_1166, %mul3A_1167 : vector<16xf32>
        %mul3A_1169 = arith.mulf %gather3A_1121, %get3A_174 : vector<16xf32>
        %add3A_1170 = arith.addf %add3A_1168, %mul3A_1169 : vector<16xf32>
        %add3A_1171 = arith.addf %gather3A_1131, %get3A_198 : vector<16xf32>
        %add3A_1172 = arith.addf %add3A_1170, %add3A_1171 : vector<16xf32>
        %min3A_1173 = arith.minimumf %min3A_1087, %add3A_1172 : vector<16xf32>
        %min3A_1174 = arith.minimumf %add3A_1148, %add3A_1156 : vector<16xf32>
        %min3A_1175 = arith.minimumf %add3A_1164, %add3A_1172 : vector<16xf32>
        %min3A_1176 = arith.minimumf %min3A_1174, %min3A_1175 : vector<16xf32>
        %min3A_1177 = arith.minimumf %gather3A_1141, %min3A_1176 : vector<16xf32>
        %lt3A_1178 = arith.constant 0 : i32
        %lt3A_1179 = vector.broadcast %lt3A_1178 : i32 to vector<16xi32>
        %lt3A_1180 = arith.cmpi slt, %and3A_36, %lt3A_1179 : vector<16xi32>
        %add3A_1181 = arith.constant 16 : i32
        %add3A_1182 = vector.broadcast %add3A_1181 : i32 to vector<16xi32>
        %add3A_1183 = arith.addi %and3A_36, %add3A_1182 : vector<16xi32>
        %select_n3A_1184 = arith.select %lt3A_1180, %add3A_1183, %and3A_36 : vector<16xi1>, vector<16xi32>
        %reshape3A_1185 = vector.shape_cast %select_n3A_1184 : vector<16xi32> to vector<16x1xi32>
        %gather3A_1186 = vector.shape_cast %reshape3A_1185 : vector<16x1xi32> to vector<16xi32>
        %gather3A_1187 = tpu.dynamic_gather %gather3A_1101[%gather3A_1186] in [0] : vector<16xf32>, vector<16xi32> -> vector<16xf32>
        %lt3A_1188 = arith.constant 0 : i32
        %lt3A_1189 = vector.broadcast %lt3A_1188 : i32 to vector<16xi32>
        %lt3A_1190 = arith.cmpi slt, %and3A_36, %lt3A_1189 : vector<16xi32>
        %add3A_1191 = arith.constant 16 : i32
        %add3A_1192 = vector.broadcast %add3A_1191 : i32 to vector<16xi32>
        %add3A_1193 = arith.addi %and3A_36, %add3A_1192 : vector<16xi32>
        %select_n3A_1194 = arith.select %lt3A_1190, %add3A_1193, %and3A_36 : vector<16xi1>, vector<16xi32>
        %reshape3A_1195 = vector.shape_cast %select_n3A_1194 : vector<16xi32> to vector<16x1xi32>
        %gather3A_1196 = vector.shape_cast %reshape3A_1195 : vector<16x1xi32> to vector<16xi32>
        %gather3A_1197 = tpu.dynamic_gather %gather3A_1111[%gather3A_1196] in [0] : vector<16xf32>, vector<16xi32> -> vector<16xf32>
        %lt3A_1198 = arith.constant 0 : i32
        %lt3A_1199 = vector.broadcast %lt3A_1198 : i32 to vector<16xi32>
        %lt3A_1200 = arith.cmpi slt, %and3A_36, %lt3A_1199 : vector<16xi32>
        %add3A_1201 = arith.constant 16 : i32
        %add3A_1202 = vector.broadcast %add3A_1201 : i32 to vector<16xi32>
        %add3A_1203 = arith.addi %and3A_36, %add3A_1202 : vector<16xi32>
        %select_n3A_1204 = arith.select %lt3A_1200, %add3A_1203, %and3A_36 : vector<16xi1>, vector<16xi32>
        %reshape3A_1205 = vector.shape_cast %select_n3A_1204 : vector<16xi32> to vector<16x1xi32>
        %gather3A_1206 = vector.shape_cast %reshape3A_1205 : vector<16x1xi32> to vector<16xi32>
        %gather3A_1207 = tpu.dynamic_gather %gather3A_1121[%gather3A_1206] in [0] : vector<16xf32>, vector<16xi32> -> vector<16xf32>
        %lt3A_1208 = arith.constant 0 : i32
        %lt3A_1209 = vector.broadcast %lt3A_1208 : i32 to vector<16xi32>
        %lt3A_1210 = arith.cmpi slt, %and3A_36, %lt3A_1209 : vector<16xi32>
        %add3A_1211 = arith.constant 16 : i32
        %add3A_1212 = vector.broadcast %add3A_1211 : i32 to vector<16xi32>
        %add3A_1213 = arith.addi %and3A_36, %add3A_1212 : vector<16xi32>
        %select_n3A_1214 = arith.select %lt3A_1210, %add3A_1213, %and3A_36 : vector<16xi1>, vector<16xi32>
        %reshape3A_1215 = vector.shape_cast %select_n3A_1214 : vector<16xi32> to vector<16x1xi32>
        %gather3A_1216 = vector.shape_cast %reshape3A_1215 : vector<16x1xi32> to vector<16xi32>
        %gather3A_1217 = tpu.dynamic_gather %gather3A_1131[%gather3A_1216] in [0] : vector<16xf32>, vector<16xi32> -> vector<16xf32>
        %lt3A_1218 = arith.constant 0 : i32
        %lt3A_1219 = vector.broadcast %lt3A_1218 : i32 to vector<16xi32>
        %lt3A_1220 = arith.cmpi slt, %and3A_36, %lt3A_1219 : vector<16xi32>
        %add3A_1221 = arith.constant 16 : i32
        %add3A_1222 = vector.broadcast %add3A_1221 : i32 to vector<16xi32>
        %add3A_1223 = arith.addi %and3A_36, %add3A_1222 : vector<16xi32>
        %select_n3A_1224 = arith.select %lt3A_1220, %add3A_1223, %and3A_36 : vector<16xi1>, vector<16xi32>
        %reshape3A_1225 = vector.shape_cast %select_n3A_1224 : vector<16xi32> to vector<16x1xi32>
        %gather3A_1226 = vector.shape_cast %reshape3A_1225 : vector<16x1xi32> to vector<16xi32>
        %gather3A_1227 = tpu.dynamic_gather %min3A_1177[%gather3A_1226] in [0] : vector<16xf32>, vector<16xi32> -> vector<16xf32>
        %mul3A_1228 = arith.mulf %gather3A_1187, %get3A_119 : vector<16xf32>
        %mul3A_1229 = arith.mulf %gather3A_1197, %get3A_139 : vector<16xf32>
        %add3A_1230 = arith.addf %mul3A_1228, %mul3A_1229 : vector<16xf32>
        %mul3A_1231 = arith.mulf %gather3A_1207, %get3A_159 : vector<16xf32>
        %add3A_1232 = arith.addf %add3A_1230, %mul3A_1231 : vector<16xf32>
        %add3A_1233 = arith.addf %gather3A_1217, %get3A_189 : vector<16xf32>
        %add3A_1234 = arith.addf %add3A_1232, %add3A_1233 : vector<16xf32>
        %min3A_1235 = arith.minimumf %min3A_1149, %add3A_1234 : vector<16xf32>
        %mul3A_1236 = arith.mulf %gather3A_1187, %get3A_124 : vector<16xf32>
        %mul3A_1237 = arith.mulf %gather3A_1197, %get3A_144 : vector<16xf32>
        %add3A_1238 = arith.addf %mul3A_1236, %mul3A_1237 : vector<16xf32>
        %mul3A_1239 = arith.mulf %gather3A_1207, %get3A_164 : vector<16xf32>
        %add3A_1240 = arith.addf %add3A_1238, %mul3A_1239 : vector<16xf32>
        %add3A_1241 = arith.addf %gather3A_1217, %get3A_192 : vector<16xf32>
        %add3A_1242 = arith.addf %add3A_1240, %add3A_1241 : vector<16xf32>
        %min3A_1243 = arith.minimumf %min3A_1157, %add3A_1242 : vector<16xf32>
        %mul3A_1244 = arith.mulf %gather3A_1187, %get3A_129 : vector<16xf32>
        %mul3A_1245 = arith.mulf %gather3A_1197, %get3A_149 : vector<16xf32>
        %add3A_1246 = arith.addf %mul3A_1244, %mul3A_1245 : vector<16xf32>
        %mul3A_1247 = arith.mulf %gather3A_1207, %get3A_169 : vector<16xf32>
        %add3A_1248 = arith.addf %add3A_1246, %mul3A_1247 : vector<16xf32>
        %add3A_1249 = arith.addf %gather3A_1217, %get3A_195 : vector<16xf32>
        %add3A_1250 = arith.addf %add3A_1248, %add3A_1249 : vector<16xf32>
        %min3A_1251 = arith.minimumf %min3A_1165, %add3A_1250 : vector<16xf32>
        %mul3A_1252 = arith.mulf %gather3A_1187, %get3A_134 : vector<16xf32>
        %mul3A_1253 = arith.mulf %gather3A_1197, %get3A_154 : vector<16xf32>
        %add3A_1254 = arith.addf %mul3A_1252, %mul3A_1253 : vector<16xf32>
        %mul3A_1255 = arith.mulf %gather3A_1207, %get3A_174 : vector<16xf32>
        %add3A_1256 = arith.addf %add3A_1254, %mul3A_1255 : vector<16xf32>
        %add3A_1257 = arith.addf %gather3A_1217, %get3A_198 : vector<16xf32>
        %add3A_1258 = arith.addf %add3A_1256, %add3A_1257 : vector<16xf32>
        %min3A_1259 = arith.minimumf %min3A_1173, %add3A_1258 : vector<16xf32>
        %min3A_1260 = arith.minimumf %add3A_1234, %add3A_1242 : vector<16xf32>
        %min3A_1261 = arith.minimumf %add3A_1250, %add3A_1258 : vector<16xf32>
        %min3A_1262 = arith.minimumf %min3A_1260, %min3A_1261 : vector<16xf32>
        %min3A_1263 = arith.minimumf %gather3A_1227, %min3A_1262 : vector<16xf32>
        %lt3A_1264 = arith.constant 0 : i32
        %lt3A_1265 = vector.broadcast %lt3A_1264 : i32 to vector<16xi32>
        %lt3A_1266 = arith.cmpi slt, %and3A_36, %lt3A_1265 : vector<16xi32>
        %add3A_1267 = arith.constant 16 : i32
        %add3A_1268 = vector.broadcast %add3A_1267 : i32 to vector<16xi32>
        %add3A_1269 = arith.addi %and3A_36, %add3A_1268 : vector<16xi32>
        %select_n3A_1270 = arith.select %lt3A_1266, %add3A_1269, %and3A_36 : vector<16xi1>, vector<16xi32>
        %reshape3A_1271 = vector.shape_cast %select_n3A_1270 : vector<16xi32> to vector<16x1xi32>
        %gather3A_1272 = vector.shape_cast %reshape3A_1271 : vector<16x1xi32> to vector<16xi32>
        %gather3A_1273 = tpu.dynamic_gather %gather3A_1187[%gather3A_1272] in [0] : vector<16xf32>, vector<16xi32> -> vector<16xf32>
        %lt3A_1274 = arith.constant 0 : i32
        %lt3A_1275 = vector.broadcast %lt3A_1274 : i32 to vector<16xi32>
        %lt3A_1276 = arith.cmpi slt, %and3A_36, %lt3A_1275 : vector<16xi32>
        %add3A_1277 = arith.constant 16 : i32
        %add3A_1278 = vector.broadcast %add3A_1277 : i32 to vector<16xi32>
        %add3A_1279 = arith.addi %and3A_36, %add3A_1278 : vector<16xi32>
        %select_n3A_1280 = arith.select %lt3A_1276, %add3A_1279, %and3A_36 : vector<16xi1>, vector<16xi32>
        %reshape3A_1281 = vector.shape_cast %select_n3A_1280 : vector<16xi32> to vector<16x1xi32>
        %gather3A_1282 = vector.shape_cast %reshape3A_1281 : vector<16x1xi32> to vector<16xi32>
        %gather3A_1283 = tpu.dynamic_gather %gather3A_1197[%gather3A_1282] in [0] : vector<16xf32>, vector<16xi32> -> vector<16xf32>
        %lt3A_1284 = arith.constant 0 : i32
        %lt3A_1285 = vector.broadcast %lt3A_1284 : i32 to vector<16xi32>
        %lt3A_1286 = arith.cmpi slt, %and3A_36, %lt3A_1285 : vector<16xi32>
        %add3A_1287 = arith.constant 16 : i32
        %add3A_1288 = vector.broadcast %add3A_1287 : i32 to vector<16xi32>
        %add3A_1289 = arith.addi %and3A_36, %add3A_1288 : vector<16xi32>
        %select_n3A_1290 = arith.select %lt3A_1286, %add3A_1289, %and3A_36 : vector<16xi1>, vector<16xi32>
        %reshape3A_1291 = vector.shape_cast %select_n3A_1290 : vector<16xi32> to vector<16x1xi32>
        %gather3A_1292 = vector.shape_cast %reshape3A_1291 : vector<16x1xi32> to vector<16xi32>
        %gather3A_1293 = tpu.dynamic_gather %gather3A_1207[%gather3A_1292] in [0] : vector<16xf32>, vector<16xi32> -> vector<16xf32>
        %lt3A_1294 = arith.constant 0 : i32
        %lt3A_1295 = vector.broadcast %lt3A_1294 : i32 to vector<16xi32>
        %lt3A_1296 = arith.cmpi slt, %and3A_36, %lt3A_1295 : vector<16xi32>
        %add3A_1297 = arith.constant 16 : i32
        %add3A_1298 = vector.broadcast %add3A_1297 : i32 to vector<16xi32>
        %add3A_1299 = arith.addi %and3A_36, %add3A_1298 : vector<16xi32>
        %select_n3A_1300 = arith.select %lt3A_1296, %add3A_1299, %and3A_36 : vector<16xi1>, vector<16xi32>
        %reshape3A_1301 = vector.shape_cast %select_n3A_1300 : vector<16xi32> to vector<16x1xi32>
        %gather3A_1302 = vector.shape_cast %reshape3A_1301 : vector<16x1xi32> to vector<16xi32>
        %gather3A_1303 = tpu.dynamic_gather %gather3A_1217[%gather3A_1302] in [0] : vector<16xf32>, vector<16xi32> -> vector<16xf32>
        %lt3A_1304 = arith.constant 0 : i32
        %lt3A_1305 = vector.broadcast %lt3A_1304 : i32 to vector<16xi32>
        %lt3A_1306 = arith.cmpi slt, %and3A_36, %lt3A_1305 : vector<16xi32>
        %add3A_1307 = arith.constant 16 : i32
        %add3A_1308 = vector.broadcast %add3A_1307 : i32 to vector<16xi32>
        %add3A_1309 = arith.addi %and3A_36, %add3A_1308 : vector<16xi32>
        %select_n3A_1310 = arith.select %lt3A_1306, %add3A_1309, %and3A_36 : vector<16xi1>, vector<16xi32>
        %reshape3A_1311 = vector.shape_cast %select_n3A_1310 : vector<16xi32> to vector<16x1xi32>
        %gather3A_1312 = vector.shape_cast %reshape3A_1311 : vector<16x1xi32> to vector<16xi32>
        %gather3A_1313 = tpu.dynamic_gather %min3A_1263[%gather3A_1312] in [0] : vector<16xf32>, vector<16xi32> -> vector<16xf32>
        %mul3A_1314 = arith.mulf %gather3A_1273, %get3A_119 : vector<16xf32>
        %mul3A_1315 = arith.mulf %gather3A_1283, %get3A_139 : vector<16xf32>
        %add3A_1316 = arith.addf %mul3A_1314, %mul3A_1315 : vector<16xf32>
        %mul3A_1317 = arith.mulf %gather3A_1293, %get3A_159 : vector<16xf32>
        %add3A_1318 = arith.addf %add3A_1316, %mul3A_1317 : vector<16xf32>
        %add3A_1319 = arith.addf %gather3A_1303, %get3A_189 : vector<16xf32>
        %add3A_1320 = arith.addf %add3A_1318, %add3A_1319 : vector<16xf32>
        %min3A_1321 = arith.minimumf %min3A_1235, %add3A_1320 : vector<16xf32>
        %mul3A_1322 = arith.mulf %gather3A_1273, %get3A_124 : vector<16xf32>
        %mul3A_1323 = arith.mulf %gather3A_1283, %get3A_144 : vector<16xf32>
        %add3A_1324 = arith.addf %mul3A_1322, %mul3A_1323 : vector<16xf32>
        %mul3A_1325 = arith.mulf %gather3A_1293, %get3A_164 : vector<16xf32>
        %add3A_1326 = arith.addf %add3A_1324, %mul3A_1325 : vector<16xf32>
        %add3A_1327 = arith.addf %gather3A_1303, %get3A_192 : vector<16xf32>
        %add3A_1328 = arith.addf %add3A_1326, %add3A_1327 : vector<16xf32>
        %min3A_1329 = arith.minimumf %min3A_1243, %add3A_1328 : vector<16xf32>
        %mul3A_1330 = arith.mulf %gather3A_1273, %get3A_129 : vector<16xf32>
        %mul3A_1331 = arith.mulf %gather3A_1283, %get3A_149 : vector<16xf32>
        %add3A_1332 = arith.addf %mul3A_1330, %mul3A_1331 : vector<16xf32>
        %mul3A_1333 = arith.mulf %gather3A_1293, %get3A_169 : vector<16xf32>
        %add3A_1334 = arith.addf %add3A_1332, %mul3A_1333 : vector<16xf32>
        %add3A_1335 = arith.addf %gather3A_1303, %get3A_195 : vector<16xf32>
        %add3A_1336 = arith.addf %add3A_1334, %add3A_1335 : vector<16xf32>
        %min3A_1337 = arith.minimumf %min3A_1251, %add3A_1336 : vector<16xf32>
        %mul3A_1338 = arith.mulf %gather3A_1273, %get3A_134 : vector<16xf32>
        %mul3A_1339 = arith.mulf %gather3A_1283, %get3A_154 : vector<16xf32>
        %add3A_1340 = arith.addf %mul3A_1338, %mul3A_1339 : vector<16xf32>
        %mul3A_1341 = arith.mulf %gather3A_1293, %get3A_174 : vector<16xf32>
        %add3A_1342 = arith.addf %add3A_1340, %mul3A_1341 : vector<16xf32>
        %add3A_1343 = arith.addf %gather3A_1303, %get3A_198 : vector<16xf32>
        %add3A_1344 = arith.addf %add3A_1342, %add3A_1343 : vector<16xf32>
        %min3A_1345 = arith.minimumf %min3A_1259, %add3A_1344 : vector<16xf32>
        %min3A_1346 = arith.minimumf %add3A_1320, %add3A_1328 : vector<16xf32>
        %min3A_1347 = arith.minimumf %add3A_1336, %add3A_1344 : vector<16xf32>
        %min3A_1348 = arith.minimumf %min3A_1346, %min3A_1347 : vector<16xf32>
        %min3A_1349 = arith.minimumf %gather3A_1313, %min3A_1348 : vector<16xf32>
        %lt3A_1350 = arith.constant 0 : i32
        %lt3A_1351 = vector.broadcast %lt3A_1350 : i32 to vector<16xi32>
        %lt3A_1352 = arith.cmpi slt, %and3A_36, %lt3A_1351 : vector<16xi32>
        %add3A_1353 = arith.constant 16 : i32
        %add3A_1354 = vector.broadcast %add3A_1353 : i32 to vector<16xi32>
        %add3A_1355 = arith.addi %and3A_36, %add3A_1354 : vector<16xi32>
        %select_n3A_1356 = arith.select %lt3A_1352, %add3A_1355, %and3A_36 : vector<16xi1>, vector<16xi32>
        %reshape3A_1357 = vector.shape_cast %select_n3A_1356 : vector<16xi32> to vector<16x1xi32>
        %gather3A_1358 = vector.shape_cast %reshape3A_1357 : vector<16x1xi32> to vector<16xi32>
        %gather3A_1359 = tpu.dynamic_gather %gather3A_1273[%gather3A_1358] in [0] : vector<16xf32>, vector<16xi32> -> vector<16xf32>
        %lt3A_1360 = arith.constant 0 : i32
        %lt3A_1361 = vector.broadcast %lt3A_1360 : i32 to vector<16xi32>
        %lt3A_1362 = arith.cmpi slt, %and3A_36, %lt3A_1361 : vector<16xi32>
        %add3A_1363 = arith.constant 16 : i32
        %add3A_1364 = vector.broadcast %add3A_1363 : i32 to vector<16xi32>
        %add3A_1365 = arith.addi %and3A_36, %add3A_1364 : vector<16xi32>
        %select_n3A_1366 = arith.select %lt3A_1362, %add3A_1365, %and3A_36 : vector<16xi1>, vector<16xi32>
        %reshape3A_1367 = vector.shape_cast %select_n3A_1366 : vector<16xi32> to vector<16x1xi32>
        %gather3A_1368 = vector.shape_cast %reshape3A_1367 : vector<16x1xi32> to vector<16xi32>
        %gather3A_1369 = tpu.dynamic_gather %gather3A_1283[%gather3A_1368] in [0] : vector<16xf32>, vector<16xi32> -> vector<16xf32>
        %lt3A_1370 = arith.constant 0 : i32
        %lt3A_1371 = vector.broadcast %lt3A_1370 : i32 to vector<16xi32>
        %lt3A_1372 = arith.cmpi slt, %and3A_36, %lt3A_1371 : vector<16xi32>
        %add3A_1373 = arith.constant 16 : i32
        %add3A_1374 = vector.broadcast %add3A_1373 : i32 to vector<16xi32>
        %add3A_1375 = arith.addi %and3A_36, %add3A_1374 : vector<16xi32>
        %select_n3A_1376 = arith.select %lt3A_1372, %add3A_1375, %and3A_36 : vector<16xi1>, vector<16xi32>
        %reshape3A_1377 = vector.shape_cast %select_n3A_1376 : vector<16xi32> to vector<16x1xi32>
        %gather3A_1378 = vector.shape_cast %reshape3A_1377 : vector<16x1xi32> to vector<16xi32>
        %gather3A_1379 = tpu.dynamic_gather %gather3A_1293[%gather3A_1378] in [0] : vector<16xf32>, vector<16xi32> -> vector<16xf32>
        %lt3A_1380 = arith.constant 0 : i32
        %lt3A_1381 = vector.broadcast %lt3A_1380 : i32 to vector<16xi32>
        %lt3A_1382 = arith.cmpi slt, %and3A_36, %lt3A_1381 : vector<16xi32>
        %add3A_1383 = arith.constant 16 : i32
        %add3A_1384 = vector.broadcast %add3A_1383 : i32 to vector<16xi32>
        %add3A_1385 = arith.addi %and3A_36, %add3A_1384 : vector<16xi32>
        %select_n3A_1386 = arith.select %lt3A_1382, %add3A_1385, %and3A_36 : vector<16xi1>, vector<16xi32>
        %reshape3A_1387 = vector.shape_cast %select_n3A_1386 : vector<16xi32> to vector<16x1xi32>
        %gather3A_1388 = vector.shape_cast %reshape3A_1387 : vector<16x1xi32> to vector<16xi32>
        %gather3A_1389 = tpu.dynamic_gather %gather3A_1303[%gather3A_1388] in [0] : vector<16xf32>, vector<16xi32> -> vector<16xf32>
        %lt3A_1390 = arith.constant 0 : i32
        %lt3A_1391 = vector.broadcast %lt3A_1390 : i32 to vector<16xi32>
        %lt3A_1392 = arith.cmpi slt, %and3A_36, %lt3A_1391 : vector<16xi32>
        %add3A_1393 = arith.constant 16 : i32
        %add3A_1394 = vector.broadcast %add3A_1393 : i32 to vector<16xi32>
        %add3A_1395 = arith.addi %and3A_36, %add3A_1394 : vector<16xi32>
        %select_n3A_1396 = arith.select %lt3A_1392, %add3A_1395, %and3A_36 : vector<16xi1>, vector<16xi32>
        %reshape3A_1397 = vector.shape_cast %select_n3A_1396 : vector<16xi32> to vector<16x1xi32>
        %gather3A_1398 = vector.shape_cast %reshape3A_1397 : vector<16x1xi32> to vector<16xi32>
        %gather3A_1399 = tpu.dynamic_gather %min3A_1349[%gather3A_1398] in [0] : vector<16xf32>, vector<16xi32> -> vector<16xf32>
        %mul3A_1400 = arith.mulf %gather3A_1359, %get3A_119 : vector<16xf32>
        %mul3A_1401 = arith.mulf %gather3A_1369, %get3A_139 : vector<16xf32>
        %add3A_1402 = arith.addf %mul3A_1400, %mul3A_1401 : vector<16xf32>
        %mul3A_1403 = arith.mulf %gather3A_1379, %get3A_159 : vector<16xf32>
        %add3A_1404 = arith.addf %add3A_1402, %mul3A_1403 : vector<16xf32>
        %add3A_1405 = arith.addf %gather3A_1389, %get3A_189 : vector<16xf32>
        %add3A_1406 = arith.addf %add3A_1404, %add3A_1405 : vector<16xf32>
        %min3A_1407 = arith.minimumf %min3A_1321, %add3A_1406 : vector<16xf32>
        %mul3A_1408 = arith.mulf %gather3A_1359, %get3A_124 : vector<16xf32>
        %mul3A_1409 = arith.mulf %gather3A_1369, %get3A_144 : vector<16xf32>
        %add3A_1410 = arith.addf %mul3A_1408, %mul3A_1409 : vector<16xf32>
        %mul3A_1411 = arith.mulf %gather3A_1379, %get3A_164 : vector<16xf32>
        %add3A_1412 = arith.addf %add3A_1410, %mul3A_1411 : vector<16xf32>
        %add3A_1413 = arith.addf %gather3A_1389, %get3A_192 : vector<16xf32>
        %add3A_1414 = arith.addf %add3A_1412, %add3A_1413 : vector<16xf32>
        %min3A_1415 = arith.minimumf %min3A_1329, %add3A_1414 : vector<16xf32>
        %mul3A_1416 = arith.mulf %gather3A_1359, %get3A_129 : vector<16xf32>
        %mul3A_1417 = arith.mulf %gather3A_1369, %get3A_149 : vector<16xf32>
        %add3A_1418 = arith.addf %mul3A_1416, %mul3A_1417 : vector<16xf32>
        %mul3A_1419 = arith.mulf %gather3A_1379, %get3A_169 : vector<16xf32>
        %add3A_1420 = arith.addf %add3A_1418, %mul3A_1419 : vector<16xf32>
        %add3A_1421 = arith.addf %gather3A_1389, %get3A_195 : vector<16xf32>
        %add3A_1422 = arith.addf %add3A_1420, %add3A_1421 : vector<16xf32>
        %min3A_1423 = arith.minimumf %min3A_1337, %add3A_1422 : vector<16xf32>
        %mul3A_1424 = arith.mulf %gather3A_1359, %get3A_134 : vector<16xf32>
        %mul3A_1425 = arith.mulf %gather3A_1369, %get3A_154 : vector<16xf32>
        %add3A_1426 = arith.addf %mul3A_1424, %mul3A_1425 : vector<16xf32>
        %mul3A_1427 = arith.mulf %gather3A_1379, %get3A_174 : vector<16xf32>
        %add3A_1428 = arith.addf %add3A_1426, %mul3A_1427 : vector<16xf32>
        %add3A_1429 = arith.addf %gather3A_1389, %get3A_198 : vector<16xf32>
        %add3A_1430 = arith.addf %add3A_1428, %add3A_1429 : vector<16xf32>
        %min3A_1431 = arith.minimumf %min3A_1345, %add3A_1430 : vector<16xf32>
        %min3A_1432 = arith.minimumf %add3A_1406, %add3A_1414 : vector<16xf32>
        %min3A_1433 = arith.minimumf %add3A_1422, %add3A_1430 : vector<16xf32>
        %min3A_1434 = arith.minimumf %min3A_1432, %min3A_1433 : vector<16xf32>
        %min3A_1435 = arith.minimumf %gather3A_1399, %min3A_1434 : vector<16xf32>
        %lt3A_1436 = arith.constant 0 : i32
        %lt3A_1437 = vector.broadcast %lt3A_1436 : i32 to vector<16xi32>
        %lt3A_1438 = arith.cmpi slt, %and3A_36, %lt3A_1437 : vector<16xi32>
        %add3A_1439 = arith.constant 16 : i32
        %add3A_1440 = vector.broadcast %add3A_1439 : i32 to vector<16xi32>
        %add3A_1441 = arith.addi %and3A_36, %add3A_1440 : vector<16xi32>
        %select_n3A_1442 = arith.select %lt3A_1438, %add3A_1441, %and3A_36 : vector<16xi1>, vector<16xi32>
        %reshape3A_1443 = vector.shape_cast %select_n3A_1442 : vector<16xi32> to vector<16x1xi32>
        %gather3A_1444 = vector.shape_cast %reshape3A_1443 : vector<16x1xi32> to vector<16xi32>
        %gather3A_1445 = tpu.dynamic_gather %gather3A_1359[%gather3A_1444] in [0] : vector<16xf32>, vector<16xi32> -> vector<16xf32>
        %lt3A_1446 = arith.constant 0 : i32
        %lt3A_1447 = vector.broadcast %lt3A_1446 : i32 to vector<16xi32>
        %lt3A_1448 = arith.cmpi slt, %and3A_36, %lt3A_1447 : vector<16xi32>
        %add3A_1449 = arith.constant 16 : i32
        %add3A_1450 = vector.broadcast %add3A_1449 : i32 to vector<16xi32>
        %add3A_1451 = arith.addi %and3A_36, %add3A_1450 : vector<16xi32>
        %select_n3A_1452 = arith.select %lt3A_1448, %add3A_1451, %and3A_36 : vector<16xi1>, vector<16xi32>
        %reshape3A_1453 = vector.shape_cast %select_n3A_1452 : vector<16xi32> to vector<16x1xi32>
        %gather3A_1454 = vector.shape_cast %reshape3A_1453 : vector<16x1xi32> to vector<16xi32>
        %gather3A_1455 = tpu.dynamic_gather %gather3A_1369[%gather3A_1454] in [0] : vector<16xf32>, vector<16xi32> -> vector<16xf32>
        %lt3A_1456 = arith.constant 0 : i32
        %lt3A_1457 = vector.broadcast %lt3A_1456 : i32 to vector<16xi32>
        %lt3A_1458 = arith.cmpi slt, %and3A_36, %lt3A_1457 : vector<16xi32>
        %add3A_1459 = arith.constant 16 : i32
        %add3A_1460 = vector.broadcast %add3A_1459 : i32 to vector<16xi32>
        %add3A_1461 = arith.addi %and3A_36, %add3A_1460 : vector<16xi32>
        %select_n3A_1462 = arith.select %lt3A_1458, %add3A_1461, %and3A_36 : vector<16xi1>, vector<16xi32>
        %reshape3A_1463 = vector.shape_cast %select_n3A_1462 : vector<16xi32> to vector<16x1xi32>
        %gather3A_1464 = vector.shape_cast %reshape3A_1463 : vector<16x1xi32> to vector<16xi32>
        %gather3A_1465 = tpu.dynamic_gather %gather3A_1379[%gather3A_1464] in [0] : vector<16xf32>, vector<16xi32> -> vector<16xf32>
        %lt3A_1466 = arith.constant 0 : i32
        %lt3A_1467 = vector.broadcast %lt3A_1466 : i32 to vector<16xi32>
        %lt3A_1468 = arith.cmpi slt, %and3A_36, %lt3A_1467 : vector<16xi32>
        %add3A_1469 = arith.constant 16 : i32
        %add3A_1470 = vector.broadcast %add3A_1469 : i32 to vector<16xi32>
        %add3A_1471 = arith.addi %and3A_36, %add3A_1470 : vector<16xi32>
        %select_n3A_1472 = arith.select %lt3A_1468, %add3A_1471, %and3A_36 : vector<16xi1>, vector<16xi32>
        %reshape3A_1473 = vector.shape_cast %select_n3A_1472 : vector<16xi32> to vector<16x1xi32>
        %gather3A_1474 = vector.shape_cast %reshape3A_1473 : vector<16x1xi32> to vector<16xi32>
        %gather3A_1475 = tpu.dynamic_gather %gather3A_1389[%gather3A_1474] in [0] : vector<16xf32>, vector<16xi32> -> vector<16xf32>
        %lt3A_1476 = arith.constant 0 : i32
        %lt3A_1477 = vector.broadcast %lt3A_1476 : i32 to vector<16xi32>
        %lt3A_1478 = arith.cmpi slt, %and3A_36, %lt3A_1477 : vector<16xi32>
        %add3A_1479 = arith.constant 16 : i32
        %add3A_1480 = vector.broadcast %add3A_1479 : i32 to vector<16xi32>
        %add3A_1481 = arith.addi %and3A_36, %add3A_1480 : vector<16xi32>
        %select_n3A_1482 = arith.select %lt3A_1478, %add3A_1481, %and3A_36 : vector<16xi1>, vector<16xi32>
        %reshape3A_1483 = vector.shape_cast %select_n3A_1482 : vector<16xi32> to vector<16x1xi32>
        %gather3A_1484 = vector.shape_cast %reshape3A_1483 : vector<16x1xi32> to vector<16xi32>
        %gather3A_1485 = tpu.dynamic_gather %min3A_1435[%gather3A_1484] in [0] : vector<16xf32>, vector<16xi32> -> vector<16xf32>
        %mul3A_1486 = arith.mulf %gather3A_1445, %get3A_119 : vector<16xf32>
        %mul3A_1487 = arith.mulf %gather3A_1455, %get3A_139 : vector<16xf32>
        %add3A_1488 = arith.addf %mul3A_1486, %mul3A_1487 : vector<16xf32>
        %mul3A_1489 = arith.mulf %gather3A_1465, %get3A_159 : vector<16xf32>
        %add3A_1490 = arith.addf %add3A_1488, %mul3A_1489 : vector<16xf32>
        %add3A_1491 = arith.addf %gather3A_1475, %get3A_189 : vector<16xf32>
        %add3A_1492 = arith.addf %add3A_1490, %add3A_1491 : vector<16xf32>
        %min3A_1493 = arith.minimumf %min3A_1407, %add3A_1492 : vector<16xf32>
        %mul3A_1494 = arith.mulf %gather3A_1445, %get3A_124 : vector<16xf32>
        %mul3A_1495 = arith.mulf %gather3A_1455, %get3A_144 : vector<16xf32>
        %add3A_1496 = arith.addf %mul3A_1494, %mul3A_1495 : vector<16xf32>
        %mul3A_1497 = arith.mulf %gather3A_1465, %get3A_164 : vector<16xf32>
        %add3A_1498 = arith.addf %add3A_1496, %mul3A_1497 : vector<16xf32>
        %add3A_1499 = arith.addf %gather3A_1475, %get3A_192 : vector<16xf32>
        %add3A_1500 = arith.addf %add3A_1498, %add3A_1499 : vector<16xf32>
        %min3A_1501 = arith.minimumf %min3A_1415, %add3A_1500 : vector<16xf32>
        %mul3A_1502 = arith.mulf %gather3A_1445, %get3A_129 : vector<16xf32>
        %mul3A_1503 = arith.mulf %gather3A_1455, %get3A_149 : vector<16xf32>
        %add3A_1504 = arith.addf %mul3A_1502, %mul3A_1503 : vector<16xf32>
        %mul3A_1505 = arith.mulf %gather3A_1465, %get3A_169 : vector<16xf32>
        %add3A_1506 = arith.addf %add3A_1504, %mul3A_1505 : vector<16xf32>
        %add3A_1507 = arith.addf %gather3A_1475, %get3A_195 : vector<16xf32>
        %add3A_1508 = arith.addf %add3A_1506, %add3A_1507 : vector<16xf32>
        %min3A_1509 = arith.minimumf %min3A_1423, %add3A_1508 : vector<16xf32>
        %mul3A_1510 = arith.mulf %gather3A_1445, %get3A_134 : vector<16xf32>
        %mul3A_1511 = arith.mulf %gather3A_1455, %get3A_154 : vector<16xf32>
        %add3A_1512 = arith.addf %mul3A_1510, %mul3A_1511 : vector<16xf32>
        %mul3A_1513 = arith.mulf %gather3A_1465, %get3A_174 : vector<16xf32>
        %add3A_1514 = arith.addf %add3A_1512, %mul3A_1513 : vector<16xf32>
        %add3A_1515 = arith.addf %gather3A_1475, %get3A_198 : vector<16xf32>
        %add3A_1516 = arith.addf %add3A_1514, %add3A_1515 : vector<16xf32>
        %min3A_1517 = arith.minimumf %min3A_1431, %add3A_1516 : vector<16xf32>
        %min3A_1518 = arith.minimumf %add3A_1492, %add3A_1500 : vector<16xf32>
        %min3A_1519 = arith.minimumf %add3A_1508, %add3A_1516 : vector<16xf32>
        %min3A_1520 = arith.minimumf %min3A_1518, %min3A_1519 : vector<16xf32>
        %min3A_1521 = arith.minimumf %gather3A_1485, %min3A_1520 : vector<16xf32>
        %lt3A_1522 = arith.constant 0 : i32
        %lt3A_1523 = vector.broadcast %lt3A_1522 : i32 to vector<16xi32>
        %lt3A_1524 = arith.cmpi slt, %and3A_36, %lt3A_1523 : vector<16xi32>
        %add3A_1525 = arith.constant 16 : i32
        %add3A_1526 = vector.broadcast %add3A_1525 : i32 to vector<16xi32>
        %add3A_1527 = arith.addi %and3A_36, %add3A_1526 : vector<16xi32>
        %select_n3A_1528 = arith.select %lt3A_1524, %add3A_1527, %and3A_36 : vector<16xi1>, vector<16xi32>
        %reshape3A_1529 = vector.shape_cast %select_n3A_1528 : vector<16xi32> to vector<16x1xi32>
        %gather3A_1530 = vector.shape_cast %reshape3A_1529 : vector<16x1xi32> to vector<16xi32>
        %gather3A_1531 = tpu.dynamic_gather %min3A_1521[%gather3A_1530] in [0] : vector<16xf32>, vector<16xi32> -> vector<16xf32>
        %swap3A_1532 = arith.index_cast %mul3A_96 : i32 to index
        %swap3A_1533 = tpu.vector_load %arg14[%swap3A_1532] {strides = array<i32>} : memref<192xf32, #tpu.memory_space<vmem>>, vector<16xf32>,
        %swap3A_1534 = vector.shape_cast %swap3A_1533 : vector<16xf32> to vector<16xf32>
        %swap3A_1535 = vector.shape_cast %min3A_1493 : vector<16xf32> to vector<16xf32>
        tpu.vector_store %arg14[%swap3A_1532], %swap3A_1535 {strides = array<i32>} : memref<192xf32, #tpu.memory_space<vmem>>, vector<16xf32>,
        %swap3A_1536 = arith.index_cast %mul3A_102 : i32 to index
        %swap3A_1537 = tpu.vector_load %arg14[%swap3A_1536] {strides = array<i32>} : memref<192xf32, #tpu.memory_space<vmem>>, vector<16xf32>,
        %swap3A_1538 = vector.shape_cast %swap3A_1537 : vector<16xf32> to vector<16xf32>
        %swap3A_1539 = vector.shape_cast %min3A_1501 : vector<16xf32> to vector<16xf32>
        tpu.vector_store %arg14[%swap3A_1536], %swap3A_1539 {strides = array<i32>} : memref<192xf32, #tpu.memory_space<vmem>>, vector<16xf32>,
        %swap3A_1540 = arith.index_cast %mul3A_108 : i32 to index
        %swap3A_1541 = tpu.vector_load %arg14[%swap3A_1540] {strides = array<i32>} : memref<192xf32, #tpu.memory_space<vmem>>, vector<16xf32>,
        %swap3A_1542 = vector.shape_cast %swap3A_1541 : vector<16xf32> to vector<16xf32>
        %swap3A_1543 = vector.shape_cast %min3A_1509 : vector<16xf32> to vector<16xf32>
        tpu.vector_store %arg14[%swap3A_1540], %swap3A_1543 {strides = array<i32>} : memref<192xf32, #tpu.memory_space<vmem>>, vector<16xf32>,
        %swap3A_1544 = arith.index_cast %mul3A_114 : i32 to index
        %swap3A_1545 = tpu.vector_load %arg14[%swap3A_1544] {strides = array<i32>} : memref<192xf32, #tpu.memory_space<vmem>>, vector<16xf32>,
        %swap3A_1546 = vector.shape_cast %swap3A_1545 : vector<16xf32> to vector<16xf32>
        %swap3A_1547 = vector.shape_cast %min3A_1517 : vector<16xf32> to vector<16xf32>
        tpu.vector_store %arg14[%swap3A_1544], %swap3A_1547 {strides = array<i32>} : memref<192xf32, #tpu.memory_space<vmem>>, vector<16xf32>,
        scf.yield %gather3A_1531 : vector<16xf32>
      }
      %scan3A_84 = arith.constant 3 : i32
      %swap3A = arith.index_cast %mul3A_60 : i32 to index
      %swap3A_85 = tpu.vector_load %arg15[%swap3A] {strides = array<i32>} : memref<4096xf32, #tpu.memory_space<vmem>>, vector<16xf32>,
      %swap3A_86 = vector.shape_cast %swap3A_85 : vector<16xf32> to vector<16xf32>
      %swap3A_87 = vector.shape_cast %scan3A_83 : vector<16xf32> to vector<16xf32>
      tpu.vector_store %arg15[%swap3A], %swap3A_87 {strides = array<i32>} : memref<4096xf32, #tpu.memory_space<vmem>>, vector<16xf32>,
      %scan3A_88 = arith.constant 0 : i32
      scf.yield %scan3A_88 : i32
    }
    %scan3A_56 = arith.constant 256 : i32
    "tpu.region"() ({
      %run_scoped3A = tpu.sem_alloc : memref<!tpu.dma_semaphore, #tpu.memory_space<semaphore_mem>>
      %dma_start3A = arith.constant 0 : i32
      %dma_start3A_57 = tpu.memref_slice %arg6[%select_n3A, %select_n3A_30, %dma_start3A] : memref<8x4x4096xf32, #tpu.memory_space<hbm>> -> memref<1x1x4096xf32, #tpu.memory_space<hbm>>
      %dma_start3A_58 = tpu.memref_squeeze %dma_start3A_57 : memref<1x1x4096xf32, #tpu.memory_space<hbm>> -> memref<4096xf32, #tpu.memory_space<hbm>>
      %dma_start3A_59 = arith.constant 0 : i32
      %dma_start3A_60 = tpu.memref_slice %arg6[%select_n3A, %select_n3A_30, %dma_start3A_59] : memref<8x4x4096xf32, #tpu.memory_space<hbm>> -> memref<1x1x4096xf32, #tpu.memory_space<hbm>>
      %dma_start3A_61 = tpu.memref_squeeze %dma_start3A_60 : memref<1x1x4096xf32, #tpu.memory_space<hbm>> -> memref<4096xf32, #tpu.memory_space<hbm>>
      tpu.enqueue_dma source(%arg15 : memref<4096xf32, #tpu.memory_space<vmem>>) target(%dma_start3A_61 : memref<4096xf32, #tpu.memory_space<hbm>>) target_semaphore(%run_scoped3A : memref<!tpu.dma_semaphore, #tpu.memory_space<semaphore_mem>>)
      %dma_wait3A = arith.constant 0 : i32
      %dma_wait3A_62 = tpu.memref_slice %arg6[%select_n3A, %select_n3A_30, %dma_wait3A] : memref<8x4x4096xf32, #tpu.memory_space<hbm>> -> memref<1x1x4096xf32, #tpu.memory_space<hbm>>
      %dma_wait3A_63 = tpu.memref_squeeze %dma_wait3A_62 : memref<1x1x4096xf32, #tpu.memory_space<hbm>> -> memref<4096xf32, #tpu.memory_space<hbm>>
      %dma_wait3A_64 = arith.constant 0 : i32
      %dma_wait3A_65 = tpu.memref_slice %arg6[%select_n3A, %select_n3A_30, %dma_wait3A_64] : memref<8x4x4096xf32, #tpu.memory_space<hbm>> -> memref<1x1x4096xf32, #tpu.memory_space<hbm>>
      %dma_wait3A_66 = tpu.memref_squeeze %dma_wait3A_65 : memref<1x1x4096xf32, #tpu.memory_space<hbm>> -> memref<4096xf32, #tpu.memory_space<hbm>>
      tpu.wait_dma2 semaphore(%run_scoped3A : memref<!tpu.dma_semaphore, #tpu.memory_space<semaphore_mem>>) src(%arg15 : memref<4096xf32, #tpu.memory_space<vmem>>) dst(%dma_wait3A_66 : memref<4096xf32, #tpu.memory_space<hbm>>)
      tpu.yield
    }) : () -> ()
    "tpu.region"() ({
      %run_scoped3A = tpu.sem_alloc : memref<!tpu.dma_semaphore, #tpu.memory_space<semaphore_mem>>
      %dma_start3A = arith.constant 0 : i32
      %dma_start3A_57 = tpu.memref_slice %arg7[%select_n3A, %select_n3A_30, %dma_start3A] : memref<8x4x192xf32, #tpu.memory_space<hbm>> -> memref<1x1x192xf32, #tpu.memory_space<hbm>>
      %dma_start3A_58 = tpu.memref_squeeze %dma_start3A_57 : memref<1x1x192xf32, #tpu.memory_space<hbm>> -> memref<192xf32, #tpu.memory_space<hbm>>
      %dma_start3A_59 = arith.constant 0 : i32
      %dma_start3A_60 = tpu.memref_slice %arg7[%select_n3A, %select_n3A_30, %dma_start3A_59] : memref<8x4x192xf32, #tpu.memory_space<hbm>> -> memref<1x1x192xf32, #tpu.memory_space<hbm>>
      %dma_start3A_61 = tpu.memref_squeeze %dma_start3A_60 : memref<1x1x192xf32, #tpu.memory_space<hbm>> -> memref<192xf32, #tpu.memory_space<hbm>>
      tpu.enqueue_dma source(%arg14 : memref<192xf32, #tpu.memory_space<vmem>>) target(%dma_start3A_61 : memref<192xf32, #tpu.memory_space<hbm>>) target_semaphore(%run_scoped3A : memref<!tpu.dma_semaphore, #tpu.memory_space<semaphore_mem>>)
      %dma_wait3A = arith.constant 0 : i32
      %dma_wait3A_62 = tpu.memref_slice %arg7[%select_n3A, %select_n3A_30, %dma_wait3A] : memref<8x4x192xf32, #tpu.memory_space<hbm>> -> memref<1x1x192xf32, #tpu.memory_space<hbm>>
      %dma_wait3A_63 = tpu.memref_squeeze %dma_wait3A_62 : memref<1x1x192xf32, #tpu.memory_space<hbm>> -> memref<192xf32, #tpu.memory_space<hbm>>
      %dma_wait3A_64 = arith.constant 0 : i32
      %dma_wait3A_65 = tpu.memref_slice %arg7[%select_n3A, %select_n3A_30, %dma_wait3A_64] : memref<8x4x192xf32, #tpu.memory_space<hbm>> -> memref<1x1x192xf32, #tpu.memory_space<hbm>>
      %dma_wait3A_66 = tpu.memref_squeeze %dma_wait3A_65 : memref<1x1x192xf32, #tpu.memory_space<hbm>> -> memref<192xf32, #tpu.memory_space<hbm>>
      tpu.wait_dma2 semaphore(%run_scoped3A : memref<!tpu.dma_semaphore, #tpu.memory_space<semaphore_mem>>) src(%arg14 : memref<192xf32, #tpu.memory_space<vmem>>) dst(%dma_wait3A_66 : memref<192xf32, #tpu.memory_space<hbm>>)
      tpu.yield
    }) : () -> ()
    return
  }
}

module attributes {stable_mosaic.version = 14 : i64} {
  func.func @body(%arg0: i32, %arg1: i32, %arg2: memref<1x512x3xf32, #tpu.memory_space<vmem>>, %arg3: memref<1x1x3328xf32, #tpu.memory_space<vmem>>, %arg4: memref<1x512x3xbf16, #tpu.memory_space<vmem>>, %arg5: memref<1x3x3328xbf16, #tpu.memory_space<vmem>>, %arg6: memref<1x1x4096xf32, #tpu.memory_space<vmem>>, %arg7: memref<1x1x3328xf32, #tpu.memory_space<vmem>>) attributes {dimension_semantics = [#tpu.dimension_semantics<arbitrary>, #tpu.dimension_semantics<arbitrary>], iteration_bounds = array<i64: 8, 8>, scalar_prefetch = 0 : i64, scratch_operands = 0 : i64, tpu.core_type = #tpu.core_type<tc>, window_params = [{transform_indices = @transform_0, window_bounds = array<i64: 1, 512, 3>}, {transform_indices = @transform_1, window_bounds = array<i64: 1, 1, 3328>}, {transform_indices = @transform_2, window_bounds = array<i64: 1, 512, 3>}, {transform_indices = @transform_3, window_bounds = array<i64: 1, 3, 3328>}, {transform_indices = @transform_4, window_bounds = array<i64: 1, 1, 4096>}, {transform_indices = @transform_5, window_bounds = array<i64: 1, 1, 3328>}]} {
    %get3A = arith.constant 0 : index
    %get3A_0 = arith.constant 0 : index
    %get3A_1 = arith.constant 0 : index
    %get3A_2 = vector.load %arg4[%get3A, %get3A_0, %get3A_1] : memref<1x512x3xbf16, #tpu.memory_space<vmem>>, vector<1x512x3xbf16>
    %get3A_3 = vector.shape_cast %get3A_2 : vector<1x512x3xbf16> to vector<512x3xbf16>
    %get3A_4 = arith.constant 0 : index
    %get3A_5 = arith.constant 0 : index
    %get3A_6 = arith.constant 0 : index
    %get3A_7 = vector.load %arg5[%get3A_4, %get3A_5, %get3A_6] : memref<1x3x3328xbf16, #tpu.memory_space<vmem>>, vector<1x3x3328xbf16>
    %get3A_8 = vector.shape_cast %get3A_7 : vector<1x3x3328xbf16> to vector<3x3328xbf16>
    %dot_general3A = arith.constant dense<0.000000e+00> : vector<512x3328xf32>
    %dot_general3A_9 = tpu.matmul %get3A_3, %get3A_8, %dot_general3A {dimension_numbers = #tpu.dot_dimension_numbers<[1], [0], [0], [1], [0, 0, 1, 1], [], []>, transpose_lhs_hint = false} : vector<512x3xbf16>, vector<3x3328xbf16>, vector<512x3328xf32> -> vector<512x3328xf32>
    %get3A_10 = arith.constant 0 : index
    %get3A_11 = arith.constant 0 : index
    %get3A_12 = arith.constant 0 : index
    %get3A_13 = vector.load %arg2[%get3A_10, %get3A_11, %get3A_12] : memref<1x512x3xf32, #tpu.memory_space<vmem>>, vector<1x512x3xf32>
    %get3A_14 = vector.shape_cast %get3A_13 : vector<1x512x3xf32> to vector<512x3xf32>
    %mul3A = arith.mulf %get3A_14, %get3A_14 : vector<512x3xf32>
    %reduce_sum3A = arith.constant dense<0.000000e+00> : vector<512xf32>
    %reduce_sum3A_15 = vector.multi_reduction <add>, %mul3A, %reduce_sum3A [1] : vector<512x3xf32> to vector<512xf32>
    %broadcast_in_dim3A = vector.shape_cast %reduce_sum3A_15 : vector<512xf32> to vector<512x1xf32>
    %get3A_16 = arith.constant 0 : index
    %get3A_17 = arith.constant 0 : index
    %get3A_18 = arith.constant 0 : index
    %get3A_19 = vector.load %arg3[%get3A_16, %get3A_17, %get3A_18] : memref<1x1x3328xf32, #tpu.memory_space<vmem>>, vector<1x1x3328xf32>
    %get3A_20 = vector.shape_cast %get3A_19 : vector<1x1x3328xf32> to vector<1x3328xf32>
    %add3A = vector.broadcast %broadcast_in_dim3A : vector<512x1xf32> to vector<512x3328xf32>
    %add3A_21 = vector.broadcast %get3A_20 : vector<1x3328xf32> to vector<512x3328xf32>
    %add3A_22 = arith.addf %add3A, %add3A_21 : vector<512x3328xf32>
    %add3A_23 = arith.addf %dot_general3A_9, %add3A_22 : vector<512x3328xf32>
    %reduce_min3A = arith.constant dense<0x7F800000> : vector<512xf32>
    %reduce_min3A_24 = vector.multi_reduction <minimumf>, %add3A_23, %reduce_min3A [1] : vector<512x3328xf32> to vector<512xf32>
    %mul3A_25 = arith.constant 512 : i32
    %mul3A_26 = arith.muli %arg1, %mul3A_25 : i32
    %swap3A = arith.constant 0 : index
    %swap3A_27 = arith.constant 0 : index
    %swap3A_28 = arith.index_cast %mul3A_26 : i32 to index
    %swap3A_29 = vector.load %arg6[%swap3A, %swap3A_27, %swap3A_28] : memref<1x1x4096xf32, #tpu.memory_space<vmem>>, vector<1x1x512xf32>
    %swap3A_30 = vector.shape_cast %swap3A_29 : vector<1x1x512xf32> to vector<512xf32>
    %swap3A_31 = vector.shape_cast %reduce_min3A_24 : vector<512xf32> to vector<1x1x512xf32>
    tpu.vector_store %arg6[%swap3A, %swap3A_27, %swap3A_28], %swap3A_31 {strides = array<i32>} : memref<1x1x4096xf32, #tpu.memory_space<vmem>>, vector<1x1x512xf32>,
    %reduce_min3A_32 = arith.constant dense<0x7F800000> : vector<3328xf32>
    %reduce_min3A_33 = vector.multi_reduction <minimumf>, %add3A_23, %reduce_min3A_32 [0] : vector<512x3328xf32> to vector<3328xf32>
    %eq3A = arith.constant 0 : i32
    %eq3A_34 = arith.cmpi eq, %arg1, %eq3A : i32
    %convert_element_type3A = arith.extui %eq3A_34 : i1 to i32
    %cond3A = arith.constant 0 : i32
    %cond3A_35 = arith.cmpi ne, %convert_element_type3A, %cond3A : i32
    scf.if %cond3A_35 {
      %swap3A_40 = arith.constant 0 : index
      %swap3A_41 = arith.constant 0 : index
      %swap3A_42 = arith.constant 0 : index
      %swap3A_43 = vector.load %arg7[%swap3A_40, %swap3A_41, %swap3A_42] : memref<1x1x3328xf32, #tpu.memory_space<vmem>>, vector<1x1x3328xf32>
      %swap3A_44 = vector.shape_cast %swap3A_43 : vector<1x1x3328xf32> to vector<3328xf32>
      %swap3A_45 = vector.shape_cast %reduce_min3A_33 : vector<3328xf32> to vector<1x1x3328xf32>
      tpu.vector_store %arg7[%swap3A_40, %swap3A_41, %swap3A_42], %swap3A_45 {strides = array<i32>} : memref<1x1x3328xf32, #tpu.memory_space<vmem>>, vector<1x1x3328xf32>,
    } else {
    }
    %gt3A = arith.constant 0 : i32
    %gt3A_36 = arith.cmpi sgt, %arg1, %gt3A : i32
    %convert_element_type3A_37 = arith.extui %gt3A_36 : i1 to i32
    %cond3A_38 = arith.constant 0 : i32
    %cond3A_39 = arith.cmpi ne, %convert_element_type3A_37, %cond3A_38 : i32
    scf.if %cond3A_39 {
      %get3A_40 = arith.constant 0 : index
      %get3A_41 = arith.constant 0 : index
      %get3A_42 = arith.constant 0 : index
      %get3A_43 = vector.load %arg7[%get3A_40, %get3A_41, %get3A_42] : memref<1x1x3328xf32, #tpu.memory_space<vmem>>, vector<1x1x3328xf32>
      %get3A_44 = vector.shape_cast %get3A_43 : vector<1x1x3328xf32> to vector<3328xf32>
      %min3A = arith.minimumf %get3A_44, %reduce_min3A_33 : vector<3328xf32>
      %swap3A_45 = arith.constant 0 : index
      %swap3A_46 = arith.constant 0 : index
      %swap3A_47 = arith.constant 0 : index
      %swap3A_48 = vector.load %arg7[%swap3A_45, %swap3A_46, %swap3A_47] : memref<1x1x3328xf32, #tpu.memory_space<vmem>>, vector<1x1x3328xf32>
      %swap3A_49 = vector.shape_cast %swap3A_48 : vector<1x1x3328xf32> to vector<3328xf32>
      %swap3A_50 = vector.shape_cast %min3A : vector<3328xf32> to vector<1x1x3328xf32>
      tpu.vector_store %arg7[%swap3A_45, %swap3A_46, %swap3A_47], %swap3A_50 {strides = array<i32>} : memref<1x1x3328xf32, #tpu.memory_space<vmem>>, vector<1x1x3328xf32>,
    } else {
    }
    return
  }
  func.func @transform_0(%arg0: i32, %arg1: i32) -> (i32, i32, i32) {
    %c0_i32 = arith.constant 0 : i32
    %c0_i32_0 = arith.constant 0 : i32
    return %arg0, %arg1, %c0_i32 : i32, i32, i32
  }
  func.func @transform_1(%arg0: i32, %arg1: i32) -> (i32, i32, i32) {
    %c0_i32 = arith.constant 0 : i32
    %c0_i32_0 = arith.constant 0 : i32
    %c0_i32_1 = arith.constant 0 : i32
    return %arg0, %c0_i32, %c0_i32_0 : i32, i32, i32
  }
  func.func @transform_2(%arg0: i32, %arg1: i32) -> (i32, i32, i32) {
    %c0_i32 = arith.constant 0 : i32
    %c0_i32_0 = arith.constant 0 : i32
    return %arg0, %arg1, %c0_i32 : i32, i32, i32
  }
  func.func @transform_3(%arg0: i32, %arg1: i32) -> (i32, i32, i32) {
    %c0_i32 = arith.constant 0 : i32
    %c0_i32_0 = arith.constant 0 : i32
    %c0_i32_1 = arith.constant 0 : i32
    return %arg0, %c0_i32, %c0_i32_0 : i32, i32, i32
  }
  func.func @transform_4(%arg0: i32, %arg1: i32) -> (i32, i32, i32) {
    %c0_i32 = arith.constant 0 : i32
    %c0_i32_0 = arith.constant 0 : i32
    %c0_i32_1 = arith.constant 0 : i32
    return %arg0, %c0_i32, %c0_i32_0 : i32, i32, i32
  }
  func.func @transform_5(%arg0: i32, %arg1: i32) -> (i32, i32, i32) {
    %c0_i32 = arith.constant 0 : i32
    %c0_i32_0 = arith.constant 0 : i32
    %c0_i32_1 = arith.constant 0 : i32
    return %arg0, %c0_i32, %c0_i32_0 : i32, i32, i32
  }
}

module attributes {stable_mosaic.version = 14 : i64} {
  func.func @body(%arg0: memref<8x1x4096xf32, #tpu.memory_space<vmem>>, %arg1: memref<8x4x4096xf32, #tpu.memory_space<vmem>>, %arg2: memref<8x768xf32, #tpu.memory_space<vmem>>, %arg3: memref<8x3328xf32, #tpu.memory_space<vmem>>, %arg4: memref<8x128xf32, #tpu.memory_space<vmem>>, %arg5: memref<8x128xf32, #tpu.memory_space<vmem>>) attributes {dimension_semantics = [], scalar_prefetch = 0 : i64, scratch_operands = 0 : i64, tpu.core_type = #tpu.core_type<tc>} {
    %get3A = arith.constant 0 : index
    %get3A_0 = arith.constant 0 : index
    %get3A_1 = vector.load %arg2[%get3A, %get3A_0] : memref<8x768xf32, #tpu.memory_space<vmem>>, vector<8x768xf32>
    %reduce_sum3A = arith.constant dense<0.000000e+00> : vector<8xf32>
    %reduce_sum3A_2 = vector.multi_reduction <add>, %get3A_1, %reduce_sum3A [1] : vector<8x768xf32> to vector<8xf32>
    %get3A_3 = arith.constant 0 : index
    %get3A_4 = arith.constant 0 : index
    %get3A_5 = vector.load %arg3[%get3A_3, %get3A_4] : memref<8x3328xf32, #tpu.memory_space<vmem>>, vector<8x3328xf32>
    %reduce_sum3A_6 = arith.constant dense<0.000000e+00> : vector<8xf32>
    %reduce_sum3A_7 = vector.multi_reduction <add>, %get3A_5, %reduce_sum3A_6 [1] : vector<8x3328xf32> to vector<8xf32>
    %add3A = arith.addf %reduce_sum3A_2, %reduce_sum3A_7 : vector<8xf32>
    %mul3A = arith.constant 2.44140625E-4 : f32
    %mul3A_8 = vector.broadcast %mul3A : f32 to vector<8xf32>
    %mul3A_9 = arith.mulf %add3A, %mul3A_8 : vector<8xf32>
    %get3A_10 = arith.constant 0 : index
    %get3A_11 = arith.constant 0 : index
    %get3A_12 = arith.constant 0 : index
    %get3A_13 = vector.load %arg1[%get3A_10, %get3A_11, %get3A_12] : memref<8x4x4096xf32, #tpu.memory_space<vmem>>, vector<8x4x4096xf32>
    %reduce_min3A = arith.constant dense<0x7F800000> : vector<8x4096xf32>
    %reduce_min3A_14 = vector.multi_reduction <minimumf>, %get3A_13, %reduce_min3A [1] : vector<8x4x4096xf32> to vector<8x4096xf32>
    %get3A_15 = arith.constant 0 : index
    %get3A_16 = arith.constant 0 : index
    %get3A_17 = arith.constant 0 : index
    %get3A_18 = vector.load %arg0[%get3A_15, %get3A_16, %get3A_17] : memref<8x1x4096xf32, #tpu.memory_space<vmem>>, vector<8x1x4096xf32>
    %get3A_19 = vector.shape_cast %get3A_18 : vector<8x1x4096xf32> to vector<8x4096xf32>
    %min3A = arith.minimumf %reduce_min3A_14, %get3A_19 : vector<8x4096xf32>
    %reduce_sum3A_20 = arith.constant dense<0.000000e+00> : vector<8xf32>
    %reduce_sum3A_21 = vector.multi_reduction <add>, %min3A, %reduce_sum3A_20 [1] : vector<8x4096xf32> to vector<8xf32>
    %div3A = arith.constant 4.096000e+03 : f32
    %div3A_22 = vector.broadcast %div3A : f32 to vector<8xf32>
    %div3A_23 = arith.divf %reduce_sum3A_21, %div3A_22 : vector<8xf32>
    %broadcast_in_dim3A = vector.shape_cast %mul3A_9 : vector<8xf32> to vector<8x1xf32>
    %broadcast_in_dim3A_24 = vector.shape_cast %broadcast_in_dim3A : vector<8x1xf32> to vector<8x1xf32>
    %broadcast_in_dim3A_25 = vector.broadcast %broadcast_in_dim3A_24 : vector<8x1xf32> to vector<8x128xf32>
    %swap3A = arith.constant 0 : index
    %swap3A_26 = arith.constant 0 : index
    %swap3A_27 = vector.load %arg4[%swap3A, %swap3A_26] : memref<8x128xf32, #tpu.memory_space<vmem>>, vector<8x128xf32>
    tpu.vector_store %arg4[%swap3A, %swap3A_26], %broadcast_in_dim3A_25 {strides = array<i32>} : memref<8x128xf32, #tpu.memory_space<vmem>>, vector<8x128xf32>,
    %broadcast_in_dim3A_28 = vector.shape_cast %div3A_23 : vector<8xf32> to vector<8x1xf32>
    %broadcast_in_dim3A_29 = vector.shape_cast %broadcast_in_dim3A_28 : vector<8x1xf32> to vector<8x1xf32>
    %broadcast_in_dim3A_30 = vector.broadcast %broadcast_in_dim3A_29 : vector<8x1xf32> to vector<8x128xf32>
    %swap3A_31 = arith.constant 0 : index
    %swap3A_32 = arith.constant 0 : index
    %swap3A_33 = vector.load %arg5[%swap3A_31, %swap3A_32] : memref<8x128xf32, #tpu.memory_space<vmem>>, vector<8x128xf32>
    tpu.vector_store %arg5[%swap3A_31, %swap3A_32], %broadcast_in_dim3A_30 {strides = array<i32>} : memref<8x128xf32, #tpu.memory_space<vmem>>, vector<8x128xf32>,
    return
  }
}

</mosaic_0001>

<sc_bundles>
// kernel: kernel.5.cloned.1.call-start
scs
__scs_entry_jumppad:
0x0: {  	(pc) =	sbr.rel $0x88, $3  }
0x1: {  	(tag) =	ssettag $0x0;
	lr =	simm.s32 $0x1  }
0x2: {  	[smem:$0x3F9F] =	sst lr;
	_ =	strace $0xD0000000  }
0x3: {  	_ = 	snop  }
0x4: {  	_ = 	snop  }
0x5: {  	_ = 	snop  }
0x6: {  	_ = 	snop  }
0x7: {  	_ = 	snop  }
__scs_overlays_trampoline_lowered:
0x8: {  	[smem:$0x3FAE] =	sst s0  }
0x9: {  	[smem:$0x3FAF] =	sst s1  }
0xa: {  	[smem:$0x3FB0] =	sst s2  }
0xb: {  	[smem:$0x3FB1] =	sst s3  }
0xc: {  	[smem:$0x3FB2] =	sst s4  }
0xd: {  	[smem:$0x3FB3] =	sst s5  }
0xe: {  	[smem:$0x3FB4] =	sst s6  }
0xf: {  	[smem:$0x3FB5] =	sst s7  }
0x10: {  	[smem:$0x3FB6] =	sst s8  }
0x11: {  	[smem:$0x3FB7] =	sst s9;
	s0 =	simm.s32 @!p0 $0x0  }
0x12: {  	s1 =	sld [smem:$0x3F9D];
	s0 =	simm.s32 @p0 $0x1  }
0x13: {  	[smem:$0x3FB8] =	sst s0;
	s0 =	simm.s32 @!p1 $0x0  }
0x14: {  	s2 =	sld [smem:$0x3F9C];
	s0 =	simm.s32 @p1 $0x1  }
0x15: {  	[smem:$0x3FB9] =	sst s0;
	s0 =	simm.s32 @!p2 $0x0  }
0x16: {  	s3 =	sld [smem:$0x3FDB];
	s0 =	simm.s32 @p2 $0x1  }
0x17: {  	s4 =	simm.s32 $0x1BF5;
	[smem:$0x3FBB] =	sst s0  }
0x18: {  	s0 =	sld [smem:$0x3F9E];
	_ =	swait.ge [sflag:s4], $0x0  }
0x19: {  	s7 =	sld [smem:$0x3F9F]  }
0x1a: {  	s8 =	sadd.s32 $0xFFFFE003, lr  }
0x1b: {  	s9 =	sadd.s32 $0xFFFFFEF7, lr;
	s5 =	simm.s32 $0xFFFFFFFF;
	p2 =	slt.u32 s8, $0xFFFFF086  }
0x1c: {  	p1 =	slt.u32 s9, $0xF7A;
	s5 =	simm.s32 @!p2 $0x0  }
0x1d: {  	s5 =	simm.s32 @p1 $0x1;
	p0 =	seq.s32 s7, s2  }
0x1e: {  	s7 =	smul.u32 @!p0 $0xF7A, s2;
	p2 =	seq.s32 @!p0 s5, $0x0  }
0x1f: {  	s9 =	smul.u32 $0xF7A, s1;
	s8 =	simm.s32 @!p0 $0x1BF5;
	p2 =	por !p2, p0  }
0x20: {  	[sflag:s8] =	ssyncset.s32 @!p0 $0xFFFFF086;
	s6 =	sadd.s32 @!p0 s3, s7;
	s7 =	simm.s32 @!p0 $0x108  }
0x21: {  	s3 =	sadd.s32 s3, s9;
	s6 =	sadd.s32 @!p0 $0x88, s6;
	s7 =	simm.s32 @p2 $0x1082  }
0x22: {  	[simem:s7], [sflag:s8] =	dma.local @!p0 [hbm:s6], $0xF7A  }
0x23: {  	s9 =	sor.u32 $0xD0000000, s2;
	s6 =	simm.s32 $0x108;
	_ =	swait.ge @!p0 [sflag:s8], $0x0  }
0x24: {  	s3 =	sadd.s32 $0x88, s3;
	s6 =	simm.s32 @!p1 $0x1082;
	[sflag:s4] =	ssyncset.s32 $0xFFFFF086  }
0x25: {  	[simem:s6], [sflag:s4] =	dma.local [hbm:s3], $0xF7A  }
0x26: {  	[smem:$0x3F9F] =	sst s1;
	(tag) =	ssettag s2;
	_ =	strace s9  }
0x27: {  	s1 =	sld [smem:$0x3FAF]  }
0x28: {  	s2 =	sld [smem:$0x3FB0]  }
0x29: {  	s4 =	sld [smem:$0x3FB2]  }
0x2a: {  	p0 =	seq.s32 s5, $0x0;
	s5 =	sld [smem:$0x3FB3]  }
0x2b: {  	s6 =	sld [smem:$0x3FB4]  }
0x2c: {  	s7 =	sld [smem:$0x3FB5]  }
0x2d: {  	s3 =	simm.s32 $0x108;
	s8 =	sld [smem:$0x3FB6]  }
0x2e: {  	s3 =	simm.s32 @!p0 $0x1082;
	s9 =	sld [smem:$0x3FB7]  }
0x2f: {  	lr =	sadd.s32 s0, s3;
	s0 =	sld [smem:$0x3FAE]  }
0x30: {  	s3 =	sld [smem:$0x3FB1]  }
0x31: {  	[smem:$0x3FBA] =	sst s10  }
0x32: {  	s10 =	sld [smem:$0x3FB8];
	_ =	sdelay $0x3  }
0x33: {  	p0 =	seq.s32 s10, $0x1;
	s10 =	sld [smem:$0x3FBA];
	_ =	sdelay $0x3  }
0x34: {  	[smem:$0x3FBA] =	sst s10  }
0x35: {  	s10 =	sld [smem:$0x3FB9];
	_ =	sdelay $0x3  }
0x36: {  	p1 =	seq.s32 s10, $0x1;
	s10 =	sld [smem:$0x3FBA];
	_ =	sdelay $0x3  }
0x37: {  	[smem:$0x3FBA] =	sst s10  }
0x38: {  	s10 =	sld [smem:$0x3FBB]  }
0x39: {  	_ = 	snop;
	(pc) =	sbr.ind lr, $3  }
0x3a: {  	_ = 	snop  }
0x3b: {  	_ = 	snop  }
0x3c: {  	p2 =	seq.s32 s10, $0x1;
	s10 =	sld [smem:$0x3FBA]  }
0x3d: {  	_ =	shalt  }
0x3e: {  	_ =	shalt  }
0x3f: {  	_ =	shalt  }
0x40: {  	_ =	shalt  }
0x41: {  	_ =	shalt  }
0x42: {  	_ =	shalt  }
0x43: {  	_ =	shalt  }
0x44: {  	_ =	shalt  }
0x45: {  	_ =	shalt  }
0x46: {  	_ =	shalt  }
0x47: {  	_ =	shalt  }
0x48: {  	_ =	shalt  }
0x49: {  	_ =	shalt  }
0x4a: {  	_ =	shalt  }
0x4b: {  	_ =	shalt  }
0x4c: {  	_ =	shalt  }
0x4d: {  	_ =	shalt  }
0x4e: {  	_ =	shalt  }
0x4f: {  	_ =	shalt  }
0x50: {  	_ =	shalt  }
0x51: {  	_ =	shalt  }
0x52: {  	_ =	shalt  }
0x53: {  	_ =	shalt  }
0x54: {  	_ =	shalt  }
0x55: {  	_ =	shalt  }
0x56: {  	_ =	shalt  }
0x57: {  	_ =	shalt  }
0x58: {  	_ =	shalt  }
0x59: {  	_ =	shalt  }
0x5a: {  	_ =	shalt  }
0x5b: {  	_ =	shalt  }
0x5c: {  	_ =	shalt  }
0x5d: {  	_ =	shalt  }
0x5e: {  	_ =	shalt  }
0x5f: {  	_ =	shalt  }
0x60: {  	_ =	shalt  }
0x61: {  	_ =	shalt  }
0x62: {  	_ =	shalt  }
0x63: {  	_ =	shalt  }
0x64: {  	_ =	shalt  }
0x65: {  	_ =	shalt  }
0x66: {  	_ =	shalt  }
0x67: {  	_ =	shalt  }
0x68: {  	_ =	shalt  }
0x69: {  	_ =	shalt  }
0x6a: {  	_ =	shalt  }
0x6b: {  	_ =	shalt  }
0x6c: {  	_ =	shalt  }
0x6d: {  	_ =	shalt  }
0x6e: {  	_ =	shalt  }
0x6f: {  	_ =	shalt  }
0x70: {  	_ =	shalt  }
0x71: {  	_ =	shalt  }
0x72: {  	_ =	shalt  }
0x73: {  	_ =	shalt  }
0x74: {  	_ =	shalt  }
0x75: {  	_ =	shalt  }
0x76: {  	_ =	shalt  }
0x77: {  	_ =	shalt  }
0x78: {  	_ =	shalt  }
0x79: {  	_ =	shalt  }
0x7a: {  	_ =	shalt  }
0x7b: {  	_ =	shalt  }
0x7c: {  	_ =	shalt  }
0x7d: {  	_ =	shalt  }
0x7e: {  	_ =	shalt  }
0x7f: {  	_ =	shalt  }
0x80: {  	_ =	shalt  }
0x81: {  	_ =	shalt  }
0x82: {  	_ =	shalt  }
0x83: {  	_ =	shalt  }
0x84: {  	_ =	shalt  }
0x85: {  	_ =	shalt  }
0x86: {  	_ =	shalt  }
0x87: {  	_ =	shalt  }
.Lfunc_end0:
.L_simem_size_0:
called_computation_lowered:
.L_overlay_start_0:
0x88: {  	s2 =	sld [smem:$0x3FD9]  }
0x89: {  	s3 =	sld [smem:$0x3FFE];
	_ =	sdelay $0x1  }
0x8a: {  	s1 =	srdreg.scid  }
0x8b: {  	s0 =	sand.u32 $0x1, s1  }
0x8c: {  	s16 =	sshll.u32 s0, $0xA;
	s2 =	sadd.s32 s3, s2  }
0x8d: {  	s2 =	sadd.s32 s2, s16  }
0x8e: {  	[smem:$0x3FC6] =	sst s2  }
0x8f: {  	_ = 	snop  }
0x90: {  	(tm) =	ssettm $0x1  }
0x91: {  	s17 =	sld [smem:$0x3FFB];
	_ =	sdelay $0x3  }
0x92: {  	_ =	strace s17  }
0x93: {  	s2 =	sld [smem:$0x3FFC];
	_ =	sdelay $0x3  }
0x94: {  	_ =	strace s2  }
0x95: {  	s2 =	sld [smem:$0x3FFD];
	_ =	sdelay $0x3  }
0x96: {  	_ =	strace s2  }
0x97: {  	_ =	strace $0x8FFFFFFF  }
0x98: {  	s18 =	sld [smem:$0x3FDB];
	_ =	sdelay $0x1  }
0x99: {  	s19 =	simm.s32 $_scs_section_size  }
0x9a: {  	s4 =	simm.s32 $_size__tile_overlayer_lowered;
	s5 =	simm.s32 $_tile_overlayer_lowered  }
0x9b: {  	s22 =	simm.s32 $0x1BFF;
	s21 =	sshll.u32 s5, $0x1;
	s2 =	sadd.s32 s19, s18  }
0x9c: {  	s6 =	simm.s32 $0x0;
	s20 =	sshll.u32 s4, $0x1;
	s4 =	sadd.s32 s21, s2  }
0x9d: {  	[timem:s6], [sflag:s22] =	dma.local [hbm:s4], s20  }
0x9e: {  	_ =	swait.ge [sflag:s22], s20  }
0x9f: {  	s3 =	ssub.s32 $0x0, s20;
	[sflag:s22] =	ssyncset.done $0x0  }
0xa0: {  	[sflag:s22] =	ssyncadd.s32 s3;
	_ =	sdelay $0x1  }
0xa1: {  	s23 =	simm.s32 $0x1B8B  }
0xa2: {  	_ =	swait.ge [sflag:s23], $0x1  }
0xa3: {  	[sflag:s23] =	ssyncset.done $0x0  }
0xa4: {  	s25 =	simm.s32 $0x1B8E;
	s24 =	sld [smem:$0x3FFE];
	[sflag:s23] =	ssyncadd.s32 $0xFFFFFFFF  }
0xa5: {  	s26 =	simm.s32 $execute0_lowered;
	[smem:$0x3FD2] =	sst s25  }
0xa6: {  	s4 =	sshll.u32 s26, $0x1;
	_ =	strace $0x80000046;
	[dreg:$0x1] =	wrdreg $0xFFFFFFFF  }
0xa7: {  	s28 =	simm.s32 $_size_execute0_lowered;
	s2 =	sadd.s32 s2, s4;
	[dreg:$0x0] =	wrdreg $0x0  }
0xa8: {  	s4 =	sshll.u32 s28, $0x1;
	[dreg:$0x2] =	wrdreg s2  }
0xa9: {  	[dreg:$0x3] =	wrdreg s4  }
0xaa: {  	[dreg:$0x4] =	wrdreg $0xC0  }
0xab: {  	_ =	task [dreg:s6], $0x5FFFF  }
0xac: {  	[dreg:$0x1] =	wrdreg $0xFFFFFFFF  }
0xad: {  	[dreg:$0x0] =	wrdreg $0x60  }
0xae: {  	[dreg:$0x2] =	wrdreg s24  }
0xaf: {  	[dreg:$0x3] =	wrdreg $0x9  }
0xb0: {  	_ =	task.clear_ibuf [dreg:s6], $0x4FFFF;
	_ =	strace $0x90000046  }
0xb1: {  	s29 =	simm.s32 $0x9;
	_ =	strace $0x80000048  }
0xb2: {  	_ =	swait.ge [sflag:s29], $0x1  }
0xb3: {  	[sflag:s29] =	ssyncadd.s32 $0xFFFFFFFF  }
0xb4: {  	_ =	strace $0x90000048  }
0xb5: {  	_ =	sfence  }
0xb6: {  	s30 =	sld [smem:$0x0];
	_ =	sdelay $0x2  }
0xb7: {  	s31 =	sshll.u32 s1, $0xD;
	s1 =	sshrl.u32 s1, $0x2  }
0xb8: {  	s3 =	sand.u32 $0x4000, s31;
	s1 =	sadd.s32 s1, s30  }
0xb9: {  	s0 =	sor.u32 s3, s0;
	s1 =	sshll.u32 s1, $0x11  }
0xba: {  	s0 =	sor.u32 s1, s0  }
0xbb: {  	s0 =	sadd.s32 $0x8F2B, s0  }
0xbc: {  	[sflag:s0] =	ssyncadd.remote.s32 $0x1  }
0xbd: {  	_ =	sfence.sel $0xFFFF  }
0xbe: {  	[dreg:$0x0] =	wrdreg $0xFFFFFFFF;
	(pc) =	sbr.abs _section_cstart, $3  }
0xbf: {  	[dreg:$0x1] =	wrdreg $0xFFFFFFFF  }
0xc0: {  	_ =	task.clear_ibuf [dreg:s6], $0x2FFFF;
	_ =	strace $0x9FFFFFFF  }
0xc1: {  	(tm) =	ssettm $0x7FFFFFFF  }
tec
execute0_lowered:
.L_overlay_start_1:
0x0: {  	(tag) =	ssettag $0x1  }
0x1: {  	s0 =	srdreg.scid;
	s6 =	rddreg [dreg:$0x0]  }
0x2: {  	s7 =	simm.s32 $0x1;
	s2 =	simm.s32 $0x0;
	s4 =	sand.u32 $0x1, s0  }
0x3: {  	s14 =	simm.s32 $0x80;
	s0 =	stileid.u32;
	s1 =	sshll.u32 s4, $0x4  }
0x4: {  	s15 =	simm.s32 $0x200;
	s5 =	sand.u32 $0x3, s0;
	s3 =	sor.u32 s0, s1  }
0x5: {  	s16 =	simm.s32 $0x9A00;
	p1 =	sne.s32 s5, $0x0;
	p0 =	seq.s32 s3, $0x0  }
0x6: {  	s17 =	simm.s32 $0x9900;
	[smem:$0x7FF] =	sst s2;
	p0 =	por !p1, !p0  }
0x7: {  	s18 =	simm.s32 $0x0;
	_ =	strace $0x80000047;
	p0 =	por !p0, !p0  }
0x8: {  	s4 =	ssub.s32 $0x2, s4;
	s3 =	sshrl.u32 s3, $0x2;
	s7 =	simm.s32 @!p0 $0x0  }
0x9: {  	s9 =	sshll.u32 s5, $0xA;
	s31 =	sshrl.u32 s4, $0x1;
	s7 =	ssub.s32 s3, s7  }
0xa: {  	s5 =	sshll.u32 s5, $0x7;
	s13 =	ssub.s32 s4, s31;
	s8 =	sshll.u32 s7, $0xE  }
0xb: {  	v0 =	vimm.s32 $0xFEDCBA9;
	v1 =	vimm.s32 $0x87654321;
	s3 =	sshll.u32 s7, $0xC;
	s7 =	sshll.u32 s7, $0xA;
	s10 =	sshrl.u32 s8, $0x3  }
0xc: {  	v0 =	vunpack.c.l.s4.s8 v0;
	v1 =	vunpack.c.l.s4.s8 v1;
	s9 =	sor.u32 s9, s3;
	s3 =	simm.s32 $0x1;
	s8 =	sor.u32 s5, s8  }
0xd: {  	s5 =	sor.u32 s5, s7;
	s10 =	sadd.s32 s10, s6;
	s9 =	sshrl.u32 s9, $0x3  }
0xe: {  	v0 =	vunpack.c.0.s8.s32 v0;
	v1 =	vunpack.c.0.s8.s32 v1;
	s30 =	sshrl.u32 s8, $0x3;
	s5 =	sshrl.u32 s5, $0x3;
	s9 =	sadd.s32 s9, s6  }
0xf: {  	s11 =	sadd.s32 s30, s6;
	s12 =	sadd.s32 s5, s6;
	s4 =	sadd.s32 $0x200, s10  }
0x10: {  	v0 =	vcombine.low v1, v0;
	s5 =	sadd.s32 $0x4200, s10;
	s10 =	smax.u32 s13, $0x1;
	s13 =	simm.s32 $0x8400  }
0x11: {  	s6 =	sadd.s32 $0x9200, s9;
	s7 =	sadd.s32 $0x8200, s9;
	s8 =	sadd.s32 $0xA600, s11  }
0x12: {  	v4 =	vimm.f32 $+Inf;
	v1 =	vand.u32 $0xF, v0;
	s9 =	sadd.s32 $0xA200, s12;
	s11 =	simm.s32 $0x4000;
	s12 =	simm.s32 $0x8000  }
.LBB2_1:
0x13: {  	[tilespmem:s2], [sflag:$0x1] =	stream.linear.gather [hbm4b:s4+s2], $0x4000, $0x38;
	[tilespmem:$0xAA00] =	vst v63  }
0x14: {  	_ =	swait.ge [sflag:s3], $0x4000  }
0x15: {  	[sflag:s3] =	ssyncset.done $0x0  }
0x16: {  	[sflag:s3] =	ssyncadd.s32 $0xFFFFC000  }
0x17: {  	[tilespmem:s11], [sflag:$0x1] =	stream.linear.gather [hbm4b:s5+s2], $0x4000, $0x38;
	[tilespmem:$0xAA00] =	vst v63  }
0x18: {  	_ =	swait.ge [sflag:s3], $0x4000  }
0x19: {  	[sflag:s3] =	ssyncset.done $0x0  }
0x1a: {  	[sflag:s3] =	ssyncadd.s32 $0xFFFFC000  }
0x1b: {  	[tilespmem:s12], [sflag:$0x1] =	stream.linear.gather [hbm4b:s6+s2], $0x400, $0x38;
	[tilespmem:$0xAA00] =	vst v63  }
0x1c: {  	_ =	swait.ge [sflag:s3], $0x400  }
0x1d: {  	[sflag:s3] =	ssyncset.done $0x0  }
0x1e: {  	[sflag:s3] =	ssyncadd.s32 $0xFFFFFC00  }
0x1f: {  	[tilespmem:s13], [sflag:$0x1] =	stream.linear.gather [hbm4b:s7+s2], $0x400, $0x38;
	[tilespmem:$0xAA00] =	vst v63  }
0x20: {  	s19 =	sand.u32 $0x70, s2;
	s20 =	sand.u32 $0x3E00, s2;
	_ =	swait.ge [sflag:s3], $0x400  }
0x21: {  	s21 =	sor.u32 s19, s20;
	[sflag:s3] =	ssyncset.done $0x0  }
0x22: {  	s19 =	simm.s32 $0x10;
	s20 =	simm.s32 $0x0;
	[sflag:s3] =	ssyncadd.s32 $0xFFFFFC00  }
.LBB2_2:
0x23: {  	p0 =	sne.s32 s19, $0xFF0;
	v0 =	vld [tilespmem:s21+$0x0];
	s22 =	smov.u32 s20  }
0x24: {  	v2 =	vld [tilespmem:s21+$0x80];
	_ =	sdelay $0x1  }
0x25: {  	v3 =	vld [tilespmem:s21+$0x100];
	_ =	sdelay $0x2  }
0x26: {  	v0 =	vmul.f32 v0, v0;
	v2 =	vmul.f32 v2, v2;
	_ =	sdelay $0x1  }
.Ltmp0:
0x27: {  	v0 =	vadd.f32 v2, v0;
	v2 =	vmul.f32 v3, v3;
	(pc) =	sbr.rel @p0 .LBB2_2-.Ltmp0, $4  }
0x28: {  	_ = 	snop  }
0x29: {  	s20 =	sadd.s32 $0x40, s20;
	v0 =	vadd.f32 v2, v0  }
0x2a: {  	s23 =	sand.u32 $0x3E00, s20;
	s22 =	sshra.s32 s22, $0x2;
	s21 =	sand.u32 $0x70, s19  }
0x2b: {  	s19 =	sadd.s32 $0x10, s19;
	s21 =	sor.u32 s21, s23;
	[tilespmem:s22+$0x8800] =	vst v0  }
0x2c: {  	v0 =	vld [tilespmem:s21+$0x0]  }
0x2d: {  	v2 =	vld [tilespmem:s21+$0x80];
	_ =	sdelay $0x1  }
0x2e: {  	v3 =	vld [tilespmem:s21+$0x100];
	_ =	sdelay $0x2  }
0x2f: {  	v0 =	vmul.f32 v0, v0;
	v2 =	vmul.f32 v2, v2;
	_ =	sdelay $0x1  }
0x30: {  	v0 =	vadd.f32 v2, v0;
	v2 =	vmul.f32 v3, v3;
	_ =	sdelay $0x1  }
0x31: {  	s19 =	simm.s32 $0x0;
	v0 =	vadd.f32 v2, v0  }
0x32: {  	s20 =	sshra.s32 s20, $0x2;
	s31 =	sand.u32 $0x70, s19;
	s22 =	sand.u32 $0x200, s19  }
0x33: {  	s21 =	simm.s32 $0x10;
	s22 =	sor.u32 s31, s22;
	[tilespmem:s20+$0x8800] =	vst v0;
	s20 =	simm.s32 $0x0  }
.LBB2_4:
0x34: {  	p0 =	sne.s32 s21, $0xB0;
	v0 =	vld [tilespmem:s22+$0x8000]  }
0x35: {  	v2 =	vld [tilespmem:s22+$0x8080]  }
0x36: {  	s23 =	sshra.s32 s20, $0x2  }
0x37: {  	v3 =	vld [tilespmem:s22+$0x8100];
	[tilespmem:s23+$0x9900] =	vst v4;
	_ =	sdelay $0x2  }
0x38: {  	v0 =	vmul.f32 v0, v0;
	v2 =	vmul.f32 v2, v2;
	_ =	sdelay $0x1  }
.Ltmp1:
0x39: {  	v0 =	vadd.f32 v2, v0;
	v2 =	vmul.f32 v3, v3;
	(pc) =	sbr.rel @p0 .LBB2_4-.Ltmp1, $4  }
0x3a: {  	_ = 	snop  }
0x3b: {  	s20 =	sadd.s32 $0x40, s20;
	v0 =	vadd.f32 v2, v0  }
0x3c: {  	s24 =	sand.u32 $0x200, s20;
	s22 =	sand.u32 $0x70, s21  }
0x3d: {  	s21 =	sadd.s32 $0x10, s21;
	s22 =	sor.u32 s22, s24;
	[tilespmem:s23+$0x9800] =	vst v0  }
0x3e: {  	v0 =	vld [tilespmem:s22+$0x8000]  }
0x3f: {  	v2 =	vld [tilespmem:s22+$0x8080];
	_ =	sdelay $0x1  }
0x40: {  	v3 =	vld [tilespmem:s22+$0x8100];
	_ =	sdelay $0x2  }
0x41: {  	v0 =	vmul.f32 v0, v0;
	v2 =	vmul.f32 v2, v2;
	_ =	sdelay $0x1  }
0x42: {  	v0 =	vadd.f32 v2, v0;
	v2 =	vmul.f32 v3, v3;
	_ =	sdelay $0x1  }
0x43: {  	s20 =	sshra.s32 s20, $0x2;
	v0 =	vadd.f32 v2, v0  }
0x44: {  	[tilespmem:s20+$0x9900] =	vst v4  }
0x45: {  	[tilespmem:s20+$0x9800] =	vst v0  }
.LBB2_6:
0x46: {  	s20 =	sshll.u32 s19, $0x4;
	s21 =	sshll.u32 s19, $0x6  }
0x47: {  	s22 =	sand.u32 $0x70, s20;
	s21 =	sand.u32 $0x3E00, s21  }
0x48: {  	v4 =	vld [tilespmem:s20+$0x8800];
	s21 =	sor.u32 s22, s21  }
0x49: {  	v0 =	vld [tilespmem:s21+$0x4000]  }
0x4a: {  	v2 =	vld [tilespmem:s21+$0x4080]  }
0x4b: {  	v3 =	vld [tilespmem:s21+$0x4100];
	_ =	sdelay $0x1  }
0x4c: {  	[tilespmem:$0x1FE80] =	vst v4  }
0x4d: {  	[tilespmem:$0x1FE50] =	vst v0  }
0x4e: {  	v4 =	vperm.xlane v4, v1;
	[tilespmem:$0x1FE60] =	vst v2  }
0x4f: {  	v0 =	vperm.xlane v0, v1;
	[tilespmem:$0x1FE70] =	vst v3  }
0x50: {  	v2 =	vperm.xlane v2, v1;
	[tilespmem:$0x1FEC0] =	vst v4  }
0x51: {  	v3 =	vperm.xlane v3, v1;
	[tilespmem:$0x1FE90] =	vst v0  }
0x52: {  	v4 =	vperm.xlane v4, v1;
	[tilespmem:$0x1FEA0] =	vst v2  }
0x53: {  	v0 =	vperm.xlane v0, v1;
	[tilespmem:$0x1FEB0] =	vst v3  }
0x54: {  	v2 =	vperm.xlane v2, v1;
	[tilespmem:$0x1FF00] =	vst v4  }
0x55: {  	v3 =	vperm.xlane v3, v1;
	[tilespmem:$0x1FED0] =	vst v0  }
0x56: {  	v4 =	vperm.xlane v4, v1;
	[tilespmem:$0x1FEE0] =	vst v2  }
0x57: {  	v0 =	vperm.xlane v0, v1;
	[tilespmem:$0x1FEF0] =	vst v3  }
0x58: {  	v2 =	vperm.xlane v2, v1;
	[tilespmem:$0x1FF40] =	vst v4  }
0x59: {  	v3 =	vperm.xlane v3, v1;
	[tilespmem:$0x1FF10] =	vst v0  }
0x5a: {  	v4 =	vperm.xlane v4, v1;
	[tilespmem:$0x1FF20] =	vst v2  }
0x5b: {  	v0 =	vperm.xlane v0, v1;
	[tilespmem:$0x1FF30] =	vst v3  }
0x5c: {  	v2 =	vperm.xlane v2, v1;
	[tilespmem:$0x1FF80] =	vst v4  }
0x5d: {  	v3 =	vperm.xlane v3, v1;
	[tilespmem:$0x1FF50] =	vst v0  }
0x5e: {  	v0 =	vperm.xlane v0, v1;
	[tilespmem:$0x1FF60] =	vst v2  }
0x5f: {  	v4 =	vperm.xlane v4, v1;
	v2 =	vperm.xlane v2, v1;
	[tilespmem:$0x1FF70] =	vst v3  }
0x60: {  	v3 =	vperm.xlane v3, v1;
	[tilespmem:$0x1FF90] =	vst v0  }
0x61: {  	v29 =	vperm.xlane v4, v1;
	v0 =	vperm.xlane v0, v1;
	[tilespmem:$0x1FFA0] =	vst v2  }
0x62: {  	v2 =	vperm.xlane v2, v1;
	[tilespmem:$0x1FFB0] =	vst v3;
	v3 =	vperm.xlane v3, v1  }
0x63: {  	v33 =	vperm.xlane v29, v1;
	v30 =	vperm.xlane v0, v1  }
0x64: {  	v31 =	vperm.xlane v2, v1;
	v32 =	vperm.xlane v3, v1  }
0x65: {  	v37 =	vperm.xlane v33, v1;
	v34 =	vperm.xlane v30, v1  }
0x66: {  	v35 =	vperm.xlane v31, v1;
	v36 =	vperm.xlane v32, v1  }
0x67: {  	v41 =	vperm.xlane v37, v1;
	v38 =	vperm.xlane v34, v1  }
0x68: {  	v39 =	vperm.xlane v35, v1;
	v40 =	vperm.xlane v36, v1  }
0x69: {  	v45 =	vperm.xlane v41, v1;
	v42 =	vperm.xlane v38, v1  }
0x6a: {  	v43 =	vperm.xlane v39, v1;
	v44 =	vperm.xlane v40, v1  }
0x6b: {  	v49 =	vperm.xlane v45, v1;
	v46 =	vperm.xlane v42, v1  }
0x6c: {  	v47 =	vperm.xlane v43, v1;
	v48 =	vperm.xlane v44, v1  }
0x6d: {  	[tilespmem:$0x1FFC0] =	vst v4;
	v53 =	vperm.xlane v49, v1;
	v50 =	vperm.xlane v46, v1  }
0x6e: {  	[tilespmem:$0x1FFD0] =	vst v0;
	v51 =	vperm.xlane v47, v1;
	v52 =	vperm.xlane v48, v1  }
0x6f: {  	[tilespmem:$0x1FFE0] =	vst v2;
	v57 =	vperm.xlane v53, v1;
	v54 =	vperm.xlane v50, v1  }
0x70: {  	v11 =	vimm.f32 $+Inf;
	s22 =	simm.s32 $0x0;
	s21 =	simm.s32 $0x0;
	[tilespmem:$0x1FFF0] =	vst v3;
	v55 =	vperm.xlane v51, v1;
	v56 =	vperm.xlane v52, v1  }
.LBB2_7:
0x71: {  	v20 =	vld [tilespmem:$0x1FE50]  }
0x72: {  	s23 =	sand.u32 $0x200, s21;
	v21 =	vld [tilespmem:$0x1FE60]  }
0x73: {  	s24 =	sand.u32 $0x40, s22;
	v23 =	vld [tilespmem:$0x1FE70];
	s23 =	sor.u32 $0x8400, s23  }
0x74: {  	v24 =	vld [tilespmem:$0x1FE80];
	s26 =	sor.u32 $0x10, s24;
	s25 =	sor.u32 s24, s23  }
0x75: {  	s29 =	sor.u32 $0x20, s24;
	s28 =	sor.u32 s26, s23;
	v4 =	vld [tilespmem:s25+$0x0]  }
0x76: {  	s31 =	sor.u32 $0x30, s24;
	s30 =	sor.u32 s29, s23;
	v0 =	vld [tilespmem:s28+$0x0]  }
0x77: {  	s1 =	sor.u32 s31, s23;
	v62 =	vld [tilespmem:s30+$0x0]  }
0x78: {  	v58 =	vld [tilespmem:s1+$0x0]  }
0x79: {  	v10 =	vld [tilespmem:s25+$0x80]  }
0x7a: {  	v7 =	vld [tilespmem:s28+$0x80]  }
0x7b: {  	v2 =	vld [tilespmem:s30+$0x80]  }
0x7c: {  	v9 =	vld [tilespmem:s28+$0x100]  }
0x7d: {  	v8 =	vld [tilespmem:s25+$0x100]  }
0x7e: {  	s24 =	sand.u32 $0x80, s22;
	v60 =	vld [tilespmem:s1+$0x80]  }
0x7f: {  	v61 =	vld [tilespmem:s30+$0x100];
	s30 =	sor.u32 s24, s29;
	v5 =	vmul.f32 v4, v20;
	v6 =	vmul.f32 v10, v21  }
0x80: {  	v59 =	vld [tilespmem:s30+$0x9800];
	v12 =	vmul.f32 v0, v20  }
0x81: {  	v13 =	vmul.f32 v7, v21;
	v15 =	vmul.f32 v9, v23;
	v5 =	vadd.f32 v6, v5;
	v6 =	vld [tilespmem:s1+$0x100]  }
0x82: {  	v22 =	vmul.f32 v62, v20;
	v16 =	vmul.f32 v2, v21  }
0x83: {  	s23 =	sshra.s32 s21, $0x2;
	v20 =	vmul.f32 v58, v20;
	v21 =	vmul.f32 v60, v21;
	v12 =	vadd.f32 v13, v12  }
0x84: {  	v63 =	vld [tilespmem:s23+$0x9800];
	v26 =	vmul.f32 v61, v23;
	v13 =	vadd.f32 v16, v22  }
0x85: {  	s26 =	sor.u32 s24, s26;
	v17 =	vld [tilespmem:s23+$0x9900];
	v14 =	vmul.f32 v8, v23;
	v25 =	vadd.f32 v21, v20;
	v12 =	vadd.f32 v15, v12  }
0x86: {  	s31 =	sor.u32 s24, s31;
	v3 =	vld [tilespmem:s26+$0x9800];
	v13 =	vadd.f32 v26, v13;
	v15 =	vadd.f32 v59, v24;
	v26 =	vmul.f32 v6, v23  }
0x87: {  	v14 =	vadd.f32 v14, v5;
	v5 =	vld [tilespmem:s31+$0x9800]  }
0x88: {  	v13 =	vadd.f32 v15, v13;
	v15 =	vadd.f32 v26, v25;
	v25 =	vld [tilespmem:$0x1FE90]  }
0x89: {  	v26 =	vld [tilespmem:$0x1FEA0]  }
0x8a: {  	v16 =	vld [tilespmem:s26+$0x9900]  }
0x8b: {  	v27 =	vld [tilespmem:$0x1FEB0];
	v18 =	vadd.f32 v63, v24;
	v19 =	vadd.f32 v3, v24  }
0x8c: {  	v22 =	vld [tilespmem:s30+$0x9900]  }
0x8d: {  	v28 =	vld [tilespmem:$0x1FEC0];
	v14 =	vadd.f32 v18, v14;
	v12 =	vadd.f32 v19, v12  }
0x8e: {  	v18 =	vadd.f32 v5, v24;
	v19 =	vmul.f32 v25, v4;
	v24 =	vmul.f32 v26, v10  }
0x8f: {  	v17 =	vmin.f32 v17, v14;
	v16 =	vmin.f32 v16, v12;
	v12 =	vmin.f32 v14, v12  }
0x90: {  	v15 =	vadd.f32 v18, v15;
	v18 =	vmul.f32 v27, v8;
	v14 =	vadd.f32 v24, v19  }
0x91: {  	v22 =	vmin.f32 v22, v13;
	v19 =	vmul.f32 v25, v0;
	v24 =	vmul.f32 v26, v7  }
0x92: {  	v13 =	vmin.f32 v13, v15;
	v14 =	vadd.f32 v18, v14;
	v18 =	vadd.f32 v28, v63  }
0x93: {  	v20 =	vmul.f32 v25, v62;
	v19 =	vadd.f32 v24, v19;
	v24 =	vmul.f32 v26, v2  }
0x94: {  	v23 =	vmul.f32 v27, v9;
	v12 =	vmin.f32 v12, v13;
	v13 =	vadd.f32 v18, v14  }
0x95: {  	v18 =	vadd.f32 v24, v20;
	v24 =	vmul.f32 v25, v58;
	v25 =	vmul.f32 v26, v60  }
0x96: {  	v14 =	vadd.f32 v23, v19  }
0x97: {  	v19 =	vmul.f32 v27, v61;
	v24 =	vadd.f32 v25, v24;
	v25 =	vmul.f32 v27, v6  }
0x98: {  	v21 =	vld [tilespmem:s31+$0x9900]  }
0x99: {  	v11 =	vmin.f32 v11, v12;
	v12 =	vadd.f32 v19, v18;
	v18 =	vadd.f32 v25, v24;
	v24 =	vld [tilespmem:$0x1FED0]  }
0x9a: {  	v25 =	vld [tilespmem:$0x1FEE0];
	_ =	sdelay $0x1  }
0x9b: {  	v20 =	vadd.f32 v28, v3  }
0x9c: {  	v26 =	vadd.f32 v28, v59  }
0x9d: {  	v15 =	vmin.f32 v21, v15;
	v14 =	vadd.f32 v20, v14  }
0x9e: {  	v12 =	vadd.f32 v26, v12;
	v21 =	vmul.f32 v24, v4;
	v26 =	vmul.f32 v25, v10  }
0x9f: {  	v17 =	vmin.f32 v17, v13;
	v19 =	vadd.f32 v28, v5  }
0xa0: {  	v16 =	vmin.f32 v16, v14;
	v13 =	vmin.f32 v13, v14;
	v14 =	vadd.f32 v26, v21;
	v26 =	vld [tilespmem:$0x1FEF0]  }
0xa1: {  	v27 =	vld [tilespmem:$0x1FF00]  }
0xa2: {  	v18 =	vadd.f32 v19, v18  }
0xa3: {  	v20 =	vmin.f32 v22, v12  }
0xa4: {  	v12 =	vmin.f32 v12, v18;
	v19 =	vmul.f32 v24, v0;
	v23 =	vmul.f32 v25, v7  }
0xa5: {  	v11 =	vperm.xlane v11, v1;
	v12 =	vmin.f32 v13, v12;
	v21 =	vmul.f32 v26, v8  }
0xa6: {  	v13 =	vadd.f32 v27, v63;
	v19 =	vadd.f32 v23, v19;
	v22 =	vmul.f32 v26, v9  }
0xa7: {  	v23 =	vmul.f32 v25, v2;
	v14 =	vadd.f32 v21, v14;
	v21 =	vmul.f32 v24, v62  }
0xa8: {  	v11 =	vmin.f32 v11, v12;
	v19 =	vadd.f32 v22, v19;
	v22 =	vadd.f32 v27, v3  }
0xa9: {  	v21 =	vadd.f32 v23, v21;
	v23 =	vmul.f32 v26, v61;
	v13 =	vadd.f32 v13, v14  }
0xaa: {  	v14 =	vmul.f32 v24, v58;
	v24 =	vmul.f32 v25, v60;
	v12 =	vadd.f32 v22, v19  }
0xab: {  	v25 =	vadd.f32 v27, v59;
	v19 =	vadd.f32 v23, v21  }
0xac: {  	v26 =	vmul.f32 v26, v6;
	v14 =	vadd.f32 v24, v14  }
0xad: {  	v15 =	vmin.f32 v15, v18;
	v18 =	vadd.f32 v25, v19;
	v25 =	vld [tilespmem:$0x1FF10]  }
0xae: {  	v14 =	vadd.f32 v26, v14;
	v26 =	vld [tilespmem:$0x1FF20];
	_ =	sdelay $0x2  }
0xaf: {  	v19 =	vadd.f32 v27, v5;
	v27 =	vld [tilespmem:$0x1FF30];
	_ =	sdelay $0x1  }
0xb0: {  	v28 =	vld [tilespmem:$0x1FF40];
	v17 =	vmin.f32 v17, v13;
	v21 =	vmul.f32 v25, v4;
	v22 =	vmul.f32 v26, v10  }
0xb1: {  	v16 =	vmin.f32 v16, v12;
	v23 =	vmul.f32 v25, v0;
	v24 =	vmul.f32 v26, v7  }
0xb2: {  	v12 =	vmin.f32 v13, v12;
	v14 =	vadd.f32 v19, v14;
	v19 =	vadd.f32 v22, v21  }
0xb3: {  	v21 =	vmul.f32 v27, v8;
	v13 =	vadd.f32 v24, v23;
	v24 =	vmul.f32 v27, v9  }
0xb4: {  	v22 =	vmul.f32 v25, v62;
	v23 =	vmul.f32 v26, v2  }
0xb5: {  	v25 =	vmul.f32 v25, v58;
	v19 =	vadd.f32 v21, v19;
	v21 =	vadd.f32 v28, v63  }
0xb6: {  	v26 =	vmul.f32 v26, v60;
	v13 =	vadd.f32 v24, v13;
	v24 =	vadd.f32 v28, v3  }
0xb7: {  	v19 =	vadd.f32 v21, v19;
	v21 =	vadd.f32 v23, v22  }
0xb8: {  	v13 =	vadd.f32 v24, v13;
	v23 =	vadd.f32 v26, v25;
	v24 =	vmul.f32 v27, v6  }
0xb9: {  	v11 =	vperm.xlane v11, v1;
	v20 =	vmin.f32 v20, v18  }
0xba: {  	v18 =	vmin.f32 v18, v14;
	v26 =	vadd.f32 v28, v5;
	v25 =	vadd.f32 v24, v23  }
0xbb: {  	v12 =	vmin.f32 v12, v18;
	v22 =	vmul.f32 v27, v61;
	v24 =	vld [tilespmem:$0x1FF50]  }
0xbc: {  	v11 =	vmin.f32 v11, v12;
	v12 =	vadd.f32 v26, v25;
	v25 =	vld [tilespmem:$0x1FF60]  }
0xbd: {  	v18 =	vadd.f32 v22, v21;
	v21 =	vadd.f32 v28, v59;
	v26 =	vld [tilespmem:$0x1FF70];
	_ =	sdelay $0x1  }
0xbe: {  	v14 =	vmin.f32 v15, v14;
	v15 =	vadd.f32 v21, v18  }
0xbf: {  	v17 =	vmin.f32 v17, v19  }
0xc0: {  	v18 =	vmin.f32 v20, v15;
	v20 =	vmul.f32 v24, v4;
	v21 =	vmul.f32 v25, v10  }
0xc1: {  	v16 =	vmin.f32 v16, v13;
	v13 =	vmin.f32 v19, v13;
	v19 =	vmul.f32 v26, v8  }
0xc2: {  	v27 =	vld [tilespmem:$0x1FF80];
	v22 =	vmul.f32 v25, v7;
	v20 =	vadd.f32 v21, v20;
	v21 =	vmul.f32 v24, v0  }
0xc3: {  	v14 =	vmin.f32 v14, v12;
	v12 =	vmin.f32 v15, v12  }
0xc4: {  	v19 =	vadd.f32 v19, v20;
	v20 =	vadd.f32 v22, v21;
	v21 =	vmul.f32 v26, v9  }
0xc5: {  	v15 =	vmul.f32 v24, v62;
	v12 =	vmin.f32 v13, v12;
	v23 =	vmul.f32 v25, v2  }
0xc6: {  	v20 =	vadd.f32 v21, v20;
	v21 =	vmul.f32 v24, v58;
	v24 =	vmul.f32 v25, v60  }
0xc7: {  	v13 =	vadd.f32 v27, v3;
	v15 =	vadd.f32 v23, v15;
	v23 =	vmul.f32 v26, v61;
	v25 =	vld [tilespmem:$0x1FF90]  }
0xc8: {  	v22 =	vadd.f32 v27, v63;
	v21 =	vadd.f32 v24, v21;
	v24 =	vmul.f32 v26, v6;
	v26 =	vld [tilespmem:$0x1FFA0]  }
0xc9: {  	v15 =	vadd.f32 v23, v15;
	v23 =	vadd.f32 v27, v59  }
0xca: {  	v11 =	vperm.xlane v11, v1;
	v13 =	vadd.f32 v13, v20;
	v20 =	vadd.f32 v27, v5;
	v27 =	vld [tilespmem:$0x1FFB0];
	_ =	sdelay $0x1  }
0xcb: {  	v28 =	vld [tilespmem:$0x1FFC0];
	v11 =	vmin.f32 v11, v12;
	v12 =	vadd.f32 v22, v19  }
0xcc: {  	v19 =	vadd.f32 v24, v21;
	v21 =	vmul.f32 v25, v4;
	v24 =	vmul.f32 v26, v10;
	_ =	sdelay $0x1  }
0xcd: {  	v19 =	vadd.f32 v20, v19;
	v20 =	vadd.f32 v24, v21;
	v21 =	vmul.f32 v27, v8  }
0xce: {  	v17 =	vmin.f32 v17, v12  }
0xcf: {  	v16 =	vmin.f32 v16, v13;
	v20 =	vadd.f32 v21, v20;
	v21 =	vadd.f32 v28, v63  }
0xd0: {  	v12 =	vmin.f32 v12, v13;
	v13 =	vmul.f32 v25, v0;
	v22 =	vmul.f32 v25, v62  }
0xd1: {  	v20 =	vadd.f32 v21, v20;
	v21 =	vmul.f32 v25, v58;
	v25 =	vmul.f32 v26, v60  }
0xd2: {  	v15 =	vadd.f32 v23, v15;
	v24 =	vmul.f32 v26, v7  }
0xd3: {  	v21 =	vadd.f32 v25, v21;
	v25 =	vmul.f32 v27, v6  }
0xd4: {  	v18 =	vmin.f32 v18, v15;
	v23 =	vmul.f32 v27, v9;
	v13 =	vadd.f32 v24, v13  }
0xd5: {  	v24 =	vmul.f32 v26, v2;
	v26 =	vadd.f32 v28, v5;
	v25 =	vadd.f32 v25, v21  }
0xd6: {  	v15 =	vmin.f32 v15, v19;
	v13 =	vadd.f32 v23, v13;
	v23 =	vmul.f32 v27, v61;
	v27 =	vld [tilespmem:$0x1FFF0]  }
0xd7: {  	v12 =	vmin.f32 v12, v15;
	v22 =	vadd.f32 v24, v22;
	v15 =	vadd.f32 v26, v25;
	v25 =	vld [tilespmem:$0x1FFD0]  }
0xd8: {  	v11 =	vperm.xlane v11, v1;
	v24 =	vadd.f32 v28, v3;
	v26 =	vld [tilespmem:$0x1FFE0]  }
0xd9: {  	v22 =	vadd.f32 v23, v22;
	v23 =	vadd.f32 v28, v59  }
0xda: {  	v14 =	vmin.f32 v14, v19;
	v11 =	vmin.f32 v11, v12;
	v12 =	vadd.f32 v24, v13  }
0xdb: {  	v11 =	vperm.xlane v11, v1;
	v17 =	vmin.f32 v17, v20;
	v13 =	vadd.f32 v23, v22  }
0xdc: {  	v16 =	vmin.f32 v16, v12;
	v21 =	vmul.f32 v27, v8;
	v23 =	vmul.f32 v27, v9  }
0xdd: {  	v12 =	vmin.f32 v20, v12;
	v19 =	vmul.f32 v25, v4;
	v24 =	vmul.f32 v26, v10  }
0xde: {  	v18 =	vmin.f32 v18, v13;
	v20 =	vmul.f32 v25, v0;
	v22 =	vmul.f32 v26, v7  }
0xdf: {  	v14 =	vmin.f32 v14, v15;
	v13 =	vmin.f32 v13, v15;
	v19 =	vadd.f32 v24, v19  }
0xe0: {  	v20 =	vadd.f32 v22, v20;
	v22 =	vmul.f32 v25, v62;
	v24 =	vmul.f32 v26, v2  }
0xe1: {  	v12 =	vmin.f32 v12, v13;
	v15 =	vadd.f32 v21, v19;
	v19 =	vadd.f32 v29, v63  }
0xe2: {  	v20 =	vadd.f32 v23, v20;
	v21 =	vadd.f32 v24, v22;
	v22 =	vmul.f32 v27, v61  }
0xe3: {  	v23 =	vadd.f32 v29, v3;
	v24 =	vmul.f32 v25, v58;
	v25 =	vmul.f32 v26, v60  }
0xe4: {  	v11 =	vmin.f32 v11, v12;
	v13 =	vadd.f32 v22, v21;
	v21 =	vadd.f32 v29, v59  }
0xe5: {  	v11 =	vperm.xlane v11, v1;
	v15 =	vadd.f32 v19, v15;
	v26 =	vadd.f32 v25, v24  }
0xe6: {  	v24 =	vmul.f32 v27, v6;
	v12 =	vadd.f32 v23, v20;
	v25 =	vadd.f32 v29, v5  }
0xe7: {  	v23 =	vmul.f32 v32, v9;
	v22 =	vmul.f32 v30, v62;
	v13 =	vadd.f32 v21, v13  }
0xe8: {  	v19 =	vadd.f32 v24, v26;
	v26 =	vmul.f32 v30, v4;
	v24 =	vmul.f32 v31, v10  }
0xe9: {  	v17 =	vmin.f32 v17, v15;
	v16 =	vmin.f32 v16, v12;
	v12 =	vmin.f32 v15, v12  }
0xea: {  	v19 =	vadd.f32 v25, v19;
	v15 =	vadd.f32 v24, v26;
	v25 =	vmul.f32 v32, v8  }
0xeb: {  	v20 =	vadd.f32 v33, v63;
	v26 =	vmul.f32 v30, v0;
	v24 =	vmul.f32 v31, v7  }
0xec: {  	v18 =	vmin.f32 v18, v13;
	v13 =	vmin.f32 v13, v19;
	v15 =	vadd.f32 v25, v15  }
0xed: {  	v21 =	vadd.f32 v24, v26;
	v24 =	vmul.f32 v31, v2;
	v14 =	vmin.f32 v14, v19  }
0xee: {  	v25 =	vmul.f32 v32, v61;
	v12 =	vmin.f32 v12, v13;
	v13 =	vadd.f32 v20, v15  }
0xef: {  	v26 =	vmul.f32 v30, v58;
	v15 =	vadd.f32 v23, v21;
	v19 =	vadd.f32 v24, v22  }
0xf0: {  	v21 =	vadd.f32 v33, v3;
	v24 =	vmul.f32 v31, v60;
	v11 =	vmin.f32 v11, v12  }
0xf1: {  	v20 =	vmul.f32 v34, v0;
	v12 =	vadd.f32 v25, v19;
	v25 =	vadd.f32 v33, v59  }
0xf2: {  	v22 =	vmul.f32 v36, v9;
	v26 =	vadd.f32 v24, v26;
	v24 =	vmul.f32 v32, v6  }
0xf3: {  	v23 =	vmul.f32 v36, v61;
	v15 =	vadd.f32 v21, v15;
	v12 =	vadd.f32 v25, v12  }
0xf4: {  	v11 =	vperm.xlane v11, v1;
	v19 =	vadd.f32 v24, v26;
	v25 =	vadd.f32 v33, v5  }
0xf5: {  	v26 =	vmul.f32 v34, v4;
	v24 =	vmul.f32 v35, v10  }
0xf6: {  	v17 =	vmin.f32 v17, v13;
	v16 =	vmin.f32 v16, v15;
	v19 =	vadd.f32 v25, v19  }
0xf7: {  	v25 =	vmul.f32 v35, v7;
	v26 =	vadd.f32 v24, v26;
	v24 =	vmul.f32 v36, v8  }
0xf8: {  	v13 =	vmin.f32 v13, v15;
	v18 =	vmin.f32 v18, v12;
	v12 =	vmin.f32 v12, v19  }
0xf9: {  	v20 =	vadd.f32 v25, v20;
	v15 =	vadd.f32 v24, v26;
	v25 =	vmul.f32 v34, v62  }
0xfa: {  	v26 =	vmul.f32 v35, v2;
	v24 =	vadd.f32 v37, v63;
	v14 =	vmin.f32 v14, v19  }
0xfb: {  	v12 =	vmin.f32 v13, v12;
	v20 =	vadd.f32 v22, v20;
	v22 =	vadd.f32 v37, v3  }
0xfc: {  	v21 =	vadd.f32 v26, v25;
	v13 =	vadd.f32 v24, v15;
	v15 =	vmul.f32 v34, v58  }
0xfd: {  	v24 =	vmul.f32 v35, v60;
	v11 =	vmin.f32 v11, v12;
	v26 =	vadd.f32 v37, v59  }
0xfe: {  	v11 =	vperm.xlane v11, v1;
	v12 =	vadd.f32 v22, v20;
	v25 =	vadd.f32 v23, v21  }
0xff: {  	v15 =	vadd.f32 v24, v15;
	v24 =	vmul.f32 v36, v6;
	v17 =	vmin.f32 v17, v13  }
0x100: {  	v20 =	vadd.f32 v37, v5;
	v21 =	vmul.f32 v38, v4;
	v22 =	vmul.f32 v39, v10  }
0x101: {  	v23 =	vmul.f32 v38, v0;
	v19 =	vadd.f32 v26, v25;
	v15 =	vadd.f32 v24, v15  }
0x102: {  	v16 =	vmin.f32 v16, v12;
	v24 =	vmul.f32 v39, v7;
	v25 =	vmul.f32 v40, v8  }
0x103: {  	v12 =	vmin.f32 v13, v12;
	v18 =	vmin.f32 v18, v19;
	v15 =	vadd.f32 v20, v15  }
0x104: {  	v20 =	vadd.f32 v22, v21;
	v26 =	vadd.f32 v24, v23;
	v24 =	vmul.f32 v40, v9  }
0x105: {  	v21 =	vadd.f32 v41, v63;
	v22 =	vmul.f32 v38, v62;
	v23 =	vmul.f32 v39, v2  }
0x106: {  	v19 =	vmin.f32 v19, v15;
	v20 =	vadd.f32 v25, v20;
	v13 =	vadd.f32 v24, v26  }
0x107: {  	v24 =	vadd.f32 v41, v3;
	v25 =	vmul.f32 v38, v58;
	v26 =	vmul.f32 v39, v60  }
0x108: {  	v14 =	vmin.f32 v14, v15;
	v12 =	vmin.f32 v12, v19;
	v20 =	vadd.f32 v21, v20  }
0x109: {  	v21 =	vadd.f32 v23, v22;
	v22 =	vmul.f32 v40, v61;
	v13 =	vadd.f32 v24, v13  }
0x10a: {  	v23 =	vadd.f32 v26, v25;
	v24 =	vmul.f32 v40, v6;
	v11 =	vmin.f32 v11, v12  }
0x10b: {  	v25 =	vadd.f32 v41, v59;
	v11 =	vperm.xlane v11, v1;
	v19 =	vadd.f32 v22, v21  }
0x10c: {  	v26 =	vadd.f32 v24, v23;
	v24 =	vadd.f32 v41, v5;
	v17 =	vmin.f32 v17, v20  }
0x10d: {  	v16 =	vmin.f32 v16, v13;
	v13 =	vmin.f32 v20, v13;
	v20 =	vmul.f32 v44, v8  }
0x10e: {  	v23 =	vmul.f32 v44, v61;
	v15 =	vadd.f32 v25, v19;
	v12 =	vadd.f32 v24, v26  }
0x10f: {  	v22 =	vadd.f32 v45, v63;
	v25 =	vmul.f32 v42, v4;
	v26 =	vmul.f32 v43, v10  }
0x110: {  	v24 =	vmul.f32 v42, v0;
	v18 =	vmin.f32 v18, v15;
	v14 =	vmin.f32 v14, v12  }
0x111: {  	v19 =	vadd.f32 v26, v25;
	v25 =	vmul.f32 v43, v7;
	v12 =	vmin.f32 v15, v12  }
0x112: {  	v15 =	vmul.f32 v42, v62;
	v26 =	vmul.f32 v43, v2;
	v12 =	vmin.f32 v13, v12  }
0x113: {  	v13 =	vadd.f32 v45, v3;
	v24 =	vadd.f32 v25, v24;
	v25 =	vmul.f32 v44, v9  }
0x114: {  	v21 =	vmul.f32 v42, v58;
	v19 =	vadd.f32 v20, v19;
	v15 =	vadd.f32 v26, v15  }
0x115: {  	v11 =	vmin.f32 v11, v12;
	v20 =	vadd.f32 v25, v24;
	v24 =	vmul.f32 v43, v60  }
0x116: {  	v26 =	vadd.f32 v45, v5;
	v11 =	vperm.xlane v11, v1;
	v15 =	vadd.f32 v23, v15  }
0x117: {  	v23 =	vadd.f32 v45, v59;
	v21 =	vadd.f32 v24, v21;
	v24 =	vmul.f32 v44, v6  }
0x118: {  	v12 =	vadd.f32 v22, v19;
	v25 =	vmul.f32 v47, v10;
	v13 =	vadd.f32 v13, v20  }
0x119: {  	v22 =	vmul.f32 v46, v62;
	v15 =	vadd.f32 v23, v15;
	v19 =	vadd.f32 v24, v21  }
0x11a: {  	v17 =	vmin.f32 v17, v12;
	v23 =	vmul.f32 v48, v9;
	v24 =	vmul.f32 v46, v4  }
0x11b: {  	v16 =	vmin.f32 v16, v13;
	v19 =	vadd.f32 v26, v19;
	v26 =	vmul.f32 v48, v8  }
0x11c: {  	v20 =	vadd.f32 v25, v24;
	v24 =	vmul.f32 v46, v0;
	v25 =	vmul.f32 v47, v7  }
0x11d: {  	v18 =	vmin.f32 v18, v15;
	v12 =	vmin.f32 v12, v13;
	v21 =	vadd.f32 v49, v63  }
0x11e: {  	v20 =	vadd.f32 v26, v20;
	v13 =	vadd.f32 v25, v24;
	v24 =	vmul.f32 v47, v2  }
0x11f: {  	v25 =	vmul.f32 v47, v60;
	v15 =	vmin.f32 v15, v19;
	v26 =	vadd.f32 v49, v5  }
0x120: {  	v14 =	vmin.f32 v14, v19;
	v19 =	vmul.f32 v50, v4;
	v12 =	vmin.f32 v12, v15  }
0x121: {  	v20 =	vadd.f32 v21, v20;
	v21 =	vmul.f32 v46, v58;
	v13 =	vadd.f32 v23, v13  }
0x122: {  	v22 =	vadd.f32 v24, v22;
	v23 =	vmul.f32 v48, v61;
	v24 =	vadd.f32 v49, v3  }
0x123: {  	v11 =	vmin.f32 v11, v12;
	v21 =	vadd.f32 v25, v21;
	v25 =	vmul.f32 v48, v6  }
0x124: {  	v11 =	vperm.xlane v11, v1;
	v22 =	vadd.f32 v23, v22;
	v23 =	vadd.f32 v49, v59  }
0x125: {  	v17 =	vmin.f32 v17, v20;
	v15 =	vadd.f32 v25, v21;
	v25 =	vadd.f32 v24, v13  }
0x126: {  	v13 =	vadd.f32 v23, v22;
	v24 =	vmul.f32 v50, v0;
	v21 =	vmul.f32 v52, v8  }
0x127: {  	v23 =	vmul.f32 v52, v9;
	v15 =	vadd.f32 v26, v15;
	v16 =	vmin.f32 v16, v25  }
0x128: {  	v26 =	vmul.f32 v51, v10;
	v12 =	vmin.f32 v20, v25;
	v25 =	vmul.f32 v51, v7  }
0x129: {  	v22 =	vmul.f32 v50, v62;
	v18 =	vmin.f32 v18, v13;
	v14 =	vmin.f32 v14, v15  }
0x12a: {  	v19 =	vadd.f32 v26, v19;
	v20 =	vadd.f32 v25, v24;
	v24 =	vmul.f32 v51, v2  }
0x12b: {  	v13 =	vmin.f32 v13, v15;
	v25 =	vmul.f32 v51, v60;
	v26 =	vadd.f32 v53, v59  }
0x12c: {  	v12 =	vmin.f32 v12, v13;
	v15 =	vadd.f32 v21, v19;
	v19 =	vadd.f32 v53, v63  }
0x12d: {  	v20 =	vadd.f32 v23, v20;
	v21 =	vadd.f32 v24, v22;
	v22 =	vmul.f32 v52, v61  }
0x12e: {  	v23 =	vadd.f32 v53, v3;
	v24 =	vmul.f32 v50, v58;
	v11 =	vmin.f32 v11, v12  }
0x12f: {  	v11 =	vperm.xlane v11, v1;
	v13 =	vadd.f32 v22, v21;
	v15 =	vadd.f32 v19, v15  }
0x130: {  	v24 =	vadd.f32 v25, v24;
	v25 =	vmul.f32 v52, v6;
	v12 =	vadd.f32 v23, v20  }
0x131: {  	v20 =	vadd.f32 v57, v63;
	v23 =	vmul.f32 v56, v9;
	v13 =	vadd.f32 v26, v13  }
0x132: {  	v19 =	vadd.f32 v25, v24;
	v26 =	vadd.f32 v53, v5;
	v17 =	vmin.f32 v17, v15  }
0x133: {  	v24 =	vmul.f32 v54, v4;
	v25 =	vmul.f32 v55, v10;
	v16 =	vmin.f32 v16, v12  }
0x134: {  	v12 =	vmin.f32 v15, v12;
	v19 =	vadd.f32 v26, v19;
	v26 =	vmul.f32 v56, v8  }
0x135: {  	v15 =	vadd.f32 v25, v24;
	v24 =	vmul.f32 v54, v0;
	v25 =	vmul.f32 v55, v7  }
0x136: {  	v22 =	vmul.f32 v54, v62;
	v18 =	vmin.f32 v18, v13;
	v13 =	vmin.f32 v13, v19  }
0x137: {  	v15 =	vadd.f32 v26, v15;
	v21 =	vadd.f32 v25, v24;
	v24 =	vmul.f32 v55, v2  }
0x138: {  	v14 =	vmin.f32 v14, v19;
	v26 =	vmul.f32 v56, v61;
	v25 =	vmul.f32 v55, v60  }
0x139: {  	v12 =	vmin.f32 v12, v13;
	v13 =	vadd.f32 v20, v15;
	v15 =	vadd.f32 v23, v21  }
0x13a: {  	v19 =	vadd.f32 v24, v22;
	v21 =	vadd.f32 v57, v3;
	v24 =	vmul.f32 v54, v58  }
0x13b: {  	v11 =	vmin.f32 v11, v12;
	v22 =	vperm.xlane v55, v1;
	v23 =	vperm.xlane v56, v1  }
0x13c: {  	v11 =	vperm.xlane v11, v1;
	v12 =	vadd.f32 v26, v19;
	v26 =	vadd.f32 v57, v59  }
0x13d: {  	v15 =	vadd.f32 v21, v15;
	v24 =	vadd.f32 v25, v24;
	v25 =	vmul.f32 v56, v6  }
0x13e: {  	v19 =	vperm.xlane v54, v1;
	v21 =	vadd.f32 v57, v5;
	v17 =	vmin.f32 v17, v13  }
0x13f: {  	v27 =	vmul.f32 v23, v9;
	v28 =	vmul.f32 v22, v2;
	v12 =	vadd.f32 v26, v12  }
0x140: {  	v20 =	vadd.f32 v25, v24;
	v24 =	vmul.f32 v19, v4;
	v25 =	vmul.f32 v22, v10  }
0x141: {  	v16 =	vmin.f32 v16, v15;
	v13 =	vmin.f32 v13, v15;
	v15 =	vmul.f32 v19, v0  }
0x142: {  	v26 =	vmul.f32 v22, v7;
	v24 =	vadd.f32 v25, v24;
	v25 =	vmul.f32 v23, v8  }
0x143: {  	v18 =	vmin.f32 v18, v12;
	v20 =	vadd.f32 v21, v20;
	v21 =	vperm.xlane v57, v1  }
0x144: {  	v15 =	vadd.f32 v26, v15;
	v26 =	vmul.f32 v19, v62;
	v24 =	vadd.f32 v25, v24  }
0x145: {  	v25 =	vadd.f32 v21, v63;
	v14 =	vmin.f32 v14, v20;
	v12 =	vmin.f32 v12, v20  }
0x146: {  	v15 =	vadd.f32 v27, v15;
	v27 =	vmul.f32 v19, v58;
	v19 =	vperm.xlane v19, v1  }
0x147: {  	v12 =	vmin.f32 v13, v12;
	v20 =	vadd.f32 v25, v24;
	v25 =	vmul.f32 v23, v61  }
0x148: {  	v24 =	vadd.f32 v28, v26;
	v28 =	vmul.f32 v22, v60;
	v22 =	vperm.xlane v22, v1  }
0x149: {  	v26 =	vadd.f32 v21, v3;
	v4 =	vmul.f32 v19, v4;
	v0 =	vmul.f32 v19, v0  }
0x14a: {  	v24 =	vadd.f32 v25, v24;
	v27 =	vadd.f32 v28, v27;
	v28 =	vmul.f32 v23, v6  }
0x14b: {  	v25 =	vadd.f32 v21, v59;
	v10 =	vmul.f32 v22, v10;
	v23 =	vperm.xlane v23, v1  }
0x14c: {  	v15 =	vadd.f32 v26, v15;
	v7 =	vmul.f32 v22, v7;
	v26 =	vmul.f32 v19, v62  }
0x14d: {  	v2 =	vmul.f32 v22, v2;
	v24 =	vadd.f32 v25, v24;
	v25 =	vadd.f32 v28, v27  }
0x14e: {  	v62 =	vmul.f32 v19, v58;
	v4 =	vadd.f32 v10, v4;
	v10 =	vadd.f32 v21, v5  }
0x14f: {  	v8 =	vmul.f32 v23, v8;
	v9 =	vmul.f32 v23, v9;
	v0 =	vadd.f32 v7, v0  }
0x150: {  	v2 =	vadd.f32 v2, v26;
	v6 =	vmul.f32 v23, v6;
	v26 =	vmin.f32 v16, v15  }
0x151: {  	v10 =	vadd.f32 v10, v25;
	v4 =	vadd.f32 v8, v4;
	v8 =	vperm.xlane v21, v1  }
0x152: {  	v0 =	vadd.f32 v9, v0;
	v9 =	vmul.f32 v22, v60;
	v22 =	vmul.f32 v23, v61  }
0x153: {  	v25 =	vmin.f32 v17, v20;
	v21 =	vadd.f32 v8, v63;
	v3 =	vadd.f32 v8, v3  }
0x154: {  	v7 =	vadd.f32 v9, v62;
	v9 =	vmin.f32 v11, v12;
	v2 =	vadd.f32 v22, v2  }
0x155: {  	v11 =	vmin.f32 v20, v15;
	v58 =	vadd.f32 v8, v59;
	v5 =	vadd.f32 v8, v5  }
0x156: {  	v59 =	vmin.f32 v24, v10;
	v0 =	vadd.f32 v3, v0;
	v3 =	vadd.f32 v6, v7  }
0x157: {  	v8 =	vperm.xlane v9, v1;
	v9 =	vmin.f32 v18, v24;
	v4 =	vadd.f32 v21, v4  }
0x158: {  	p0 =	sne.s32 s22, $0x80;
	v11 =	vmin.f32 v11, v59;
	v2 =	vadd.f32 v58, v2;
	v3 =	vadd.f32 v5, v3  }
.Ltmp2:
0x159: {  	v60 =	vmin.f32 v8, v11;
	v6 =	vmin.f32 v25, v4;
	v7 =	vmin.f32 v26, v0;
	(pc) =	sbr.rel @p0 .LBB2_7-.Ltmp2, $4  }
0x15a: {  	v0 =	vmin.f32 v4, v0;
	v61 =	vperm.xlane v60, v1;
	[tilespmem:s23+$0x9900] =	vst v6;
	v62 =	vmin.f32 v2, v3  }
0x15b: {  	v63 =	vmin.f32 v14, v10;
	v2 =	vmin.f32 v9, v2;
	[tilespmem:s26+$0x9900] =	vst v7;
	v0 =	vmin.f32 v0, v62  }
0x15c: {  	v3 =	vmin.f32 v63, v3;
	[tilespmem:s30+$0x9900] =	vst v2;
	v0 =	vmin.f32 v61, v0  }
0x15d: {  	s21 =	sadd.s32 $0x100, s21;
	s22 =	sadd.s32 $0x40, s22;
	[tilespmem:s31+$0x9900] =	vst v3;
	v11 =	vperm.xlane v0, v1  }
0x15e: {  	s19 =	sadd.s32 $0x1, s19  }
0x15f: {  	p0 =	sne.s32 s19, $0x100  }
.Ltmp3:
0x160: {  	_ = 	snop;
	(pc) =	sbr.rel @p0 .LBB2_6-.Ltmp3, $2  }
0x161: {  	_ =	sdelay $0x2  }
0x162: {  	[tilespmem:s20+$0x9A00] =	vst v11  }
0x163: {  	[hbm4b:s8+s14] =	stream.strided.scatter [tilespmem:s16], [sflag:$0x1], $0x1000, s15, s14, $0x38;
	[tilespmem:$0xAA00] =	vst v63  }
0x164: {  	s18 =	sadd.s32 $0x1, s18;
	_ =	swait.ge [sflag:s3], $0x1000  }
0x165: {  	p0 =	sne.s32 s18, s10;
	[sflag:s3] =	ssyncset.done $0x0  }
.Ltmp4:
0x166: {  	[sflag:s3] =	ssyncadd.s32 $0xFFFFF000;
	(pc) =	sbr.rel @p0 .LBB2_1-.Ltmp4, $4  }
0x167: {  	[hbm4b:s9+s14] =	stream.strided.scatter [tilespmem:s17], [sflag:$0x1], $0x100, s15, s14, $0x38;
	[tilespmem:$0xAA00] =	vst v63  }
0x168: {  	_ =	swait.ge [sflag:s3], $0x100  }
0x169: {  	[sflag:s3] =	ssyncset.done $0x0  }
0x16a: {  	v4 =	vimm.f32 $+Inf;
	[sflag:s3] =	ssyncadd.s32 $0xFFFFFF00  }
0x16b: {  	_ =	sfence.sel $0x180000  }
0x16c: {  	[bflag:$0x0] =	sbarrier.arrive $0xFFFF  }
0x16d: {  	_ =	strace $0x90000047  }
0x16e: {  	[bflag:$0x2] =	sbarrier.arrive $0xFFFF  }
0x16f: {  	p0 =	sne.s32 s0, $0x0;
	s0 =	rddreg [dreg:$0x1]  }
0x170: {  	s0 =	sadd.s32 @!p0 $0x100000, s0  }
0x171: {  	[sflag:s0] =	ssyncadd.tile.s32 @!p0 $0x1;
	_ =	shalt  }
.Lfunc_end2:
_tile_overlayer_lowered:
.L_overlay_start_2:
0x172: {  	(tag) =	ssettag $0x2  }
0x173: {  	s0 =	rddreg [dreg:$0x0];
	s2 =	stileid.u32  }
0x174: {  	s1 =	rddreg [dreg:$0x1];
	p0 =	sne.s32 s2, $0x0  }
0x175: {  	s3 =	rddreg [dreg:$0x2];
	[bflag:$0x3] =	sbarrier.arrive $0xFFFF;
	s2 =	simm.s32 @!p0 $0x1C01  }
0x176: {  	[timem:s3], [sflag:s2] =	dma.local @!p0 [hbm:s0], s1  }
0x177: {  	s0 =	simm.s32 @!p0 $0x1  }
0x178: {  	_ =	swait.ge @!p0 [sflag:s0], s1  }
0x179: {  	s1 =	ssub.s32 @!p0 $0x0, s1;
	[sflag:s0] =	ssyncset.done @!p0 $0x0  }
0x17a: {  	[sflag:s0] =	ssyncadd.s32 @!p0 s1  }
0x17b: {  	[bflag:$0x3] =	sbarrier.arrive $0xFFFF  }
0x17c: {  	_ =	shalt  }

</sc_bundles>
